<compile_context>
chip_gen: v7x
topology: tpu7x:2x2x1
jax: 0.10.2.dev20260603
libtpu: 0.0.44.dev20260713+nightly
codegen_flags: <defaults>
</compile_context>

<pallas_src>
import functools

import jax
import jax.numpy as jnp
from jax import lax
from jax.experimental import pallas as pl
from jax.experimental.pallas import tpu as pltpu
from jax.experimental.pallas import tpu_sc as plsc

_BATCH = 4
_SEQ = 8192
_VOCAB = 8192
_D = 1024
_N = _BATCH * _SEQ
_NC = 2
_NS = 16
_NW = _NC * _NS
_PER_W = _N // _NW
_C = 16
_NCHUNK = _PER_W // _C
_NBUF = 4

_mesh = plsc.VectorSubcoreMesh(core_axis_name="c", subcore_axis_name="s")


@functools.partial(
    pl.kernel,
    mesh=_mesh,
    out_type=jax.ShapeDtypeStruct((_N, _D), jnp.float32),
    scratch_types=[
        pltpu.VMEM((_NCHUNK, _C), jnp.int32),
        pltpu.VMEM((_NBUF, _C, _D), jnp.float32),
    ]
    + [pltpu.SemaphoreType.DMA] * (2 * _NBUF),
)
def _embed_lookup(table_hbm, idx_hbm, out_hbm, idx_v, rows_v, *sems):
    gsems = sems[:_NBUF]
    ssems = sems[_NBUF:]
    wid = lax.axis_index("s") * _NC + lax.axis_index("c")
    base = wid * _PER_W
    pltpu.sync_copy(idx_hbm.at[wid], idx_v)

    def gather_start(j, b):
        pltpu.make_async_copy(
            table_hbm.at[idx_v.at[j]], rows_v.at[b], gsems[b]
        ).start()

    def gather_wait(j, b):
        pltpu.make_async_copy(
            table_hbm.at[idx_v.at[j]], rows_v.at[b], gsems[b]
        ).wait()

    def store_start(j, b):
        pltpu.make_async_copy(
            rows_v.at[b], out_hbm.at[pl.ds(base + j * _C, _C)], ssems[b]
        ).start()

    def store_wait(j, b):
        pltpu.make_async_copy(
            rows_v.at[b], out_hbm.at[pl.ds(base + j * _C, _C)], ssems[b]
        ).wait()

    for b in range(_NBUF):
        gather_start(b, b)

    def body(g, carry):
        for b in range(_NBUF):
            j = g * _NBUF + b
            gather_wait(j, b)
            store_start(j, b)
            nxt = j + _NBUF

            @pl.when(nxt < _NCHUNK)
            def _():
                store_wait(j, b)
                gather_start(nxt, b)

        return carry

    lax.fori_loop(0, _NCHUNK // _NBUF, body, 0)

    for b in range(_NBUF):
        store_wait(_NCHUNK - _NBUF + b, b)


def kernel(x, PE_weight):
    idx = x.reshape(_NW, _NCHUNK, _C).astype(jnp.int32)
    out = _embed_lookup(PE_weight, idx)
    return out.reshape(_BATCH, _SEQ, _D)

# --- scband reference (transcript-rebuilt; emitter-appended) ---
"""Pipeline reference for scband-learnable-position-embedding-11905649345016 (READ-ONLY COPY).

The authoritative reference and input builder live on the scoring server;
editing this copy changes nothing except your own understanding.
"""

import jax, jax.numpy as jnp
import numpy as np

CTX_LENGTH = 8192
EMBED_SIZE = 1024
BATCH = 4
SEQ = 8192

def setup_inputs(seed: int = 0) -> dict:
    key = jax.random.key(seed)
    k_idx, k_tab = jax.random.split(key)
    x = jax.random.randint(k_idx, (BATCH, SEQ), 0, CTX_LENGTH, dtype=jnp.int64 if jax.config.jax_enable_x64 else jnp.int32)
    PE_weight = jax.random.normal(k_tab, (CTX_LENGTH, EMBED_SIZE), dtype=jnp.float32)
    return {"x": x, "PE_weight": PE_weight}

def reference(x, PE_weight):
    # nn.Embedding lookup: out[b, s, :] = PE_weight[x[b, s], :]
    return jnp.take(PE_weight, x, axis=0)

if __name__ == "__main__":
    import jax
    _d = setup_inputs()
    print(jax.jit(kernel)(*tuple(_d.values())))

</pallas_src>

<mosaic_0001>
#map = affine_map<(d0, d1) -> (0, 0)>
#map1 = affine_map<(d0, d1) -> (0, 0, 0)>
module attributes {stable_mosaic.version = 14 : i64} {
  func.func @_embed_lookup(%arg0: i32, %arg1: i32, %arg2: memref<8192x1024xf32, #tpu.memory_space<hbm>>, %arg3: memref<32x64x16xi32, #tpu.memory_space<hbm>>, %arg4: memref<32768x1024xf32, #tpu.memory_space<hbm>>, %arg5: memref<64x16xi32, #tpu.memory_space<vmem>>, %arg6: memref<4x16x1024xf32, #tpu.memory_space<vmem>>, %arg7: memref<!tpu.dma_semaphore, #tpu.memory_space<semaphore_mem>>, %arg8: memref<!tpu.dma_semaphore, #tpu.memory_space<semaphore_mem>>, %arg9: memref<!tpu.dma_semaphore, #tpu.memory_space<semaphore_mem>>, %arg10: memref<!tpu.dma_semaphore, #tpu.memory_space<semaphore_mem>>, %arg11: memref<!tpu.dma_semaphore, #tpu.memory_space<semaphore_mem>>, %arg12: memref<!tpu.dma_semaphore, #tpu.memory_space<semaphore_mem>>, %arg13: memref<!tpu.dma_semaphore, #tpu.memory_space<semaphore_mem>>, %arg14: memref<!tpu.dma_semaphore, #tpu.memory_space<semaphore_mem>>) attributes {dimension_semantics = [#tpu.dimension_semantics<core_parallel>, #tpu.dimension_semantics<subcore_parallel>], iteration_bounds = array<i64: 2, 16>, scalar_prefetch = 0 : i64, scratch_operands = 10 : i64, tpu.core_type = #tpu.core_type<sc_vector_subcore>, window_params = [{transform_indices = #map}, {transform_indices = #map1}, {transform_indices = #map}]} {
    %mul3A = arith.constant 2 : i32
    %mul3A_0 = arith.muli %arg1, %mul3A : i32
    %add3A = arith.addi %mul3A_0, %arg0 : i32
    %mul3A_1 = arith.constant 1024 : i32
    %mul3A_2 = arith.muli %add3A, %mul3A_1 : i32
    "tpu.region"() ({
      %run_scoped3A = tpu.sem_alloc : memref<!tpu.dma_semaphore, #tpu.memory_space<semaphore_mem>>
      %dma_start3A_114 = arith.constant 0 : i32
      %dma_start3A_115 = arith.constant 0 : i32
      %dma_start3A_116 = tpu.memref_slice %arg3[%add3A, %dma_start3A_114, %dma_start3A_115] : memref<32x64x16xi32, #tpu.memory_space<hbm>> -> memref<1x64x16xi32, #tpu.memory_space<hbm>>
      %dma_start3A_117 = tpu.memref_squeeze %dma_start3A_116 : memref<1x64x16xi32, #tpu.memory_space<hbm>> -> memref<64x16xi32, #tpu.memory_space<hbm>>
      %dma_start3A_118 = arith.constant 0 : i32
      %dma_start3A_119 = arith.constant 0 : i32
      %dma_start3A_120 = tpu.memref_slice %arg3[%add3A, %dma_start3A_118, %dma_start3A_119] : memref<32x64x16xi32, #tpu.memory_space<hbm>> -> memref<1x64x16xi32, #tpu.memory_space<hbm>>
      %dma_start3A_121 = tpu.memref_squeeze %dma_start3A_120 : memref<1x64x16xi32, #tpu.memory_space<hbm>> -> memref<64x16xi32, #tpu.memory_space<hbm>>
      tpu.enqueue_dma source(%dma_start3A_121 : memref<64x16xi32, #tpu.memory_space<hbm>>) target(%arg5 : memref<64x16xi32, #tpu.memory_space<vmem>>) target_semaphore(%run_scoped3A : memref<!tpu.dma_semaphore, #tpu.memory_space<semaphore_mem>>)
      %dma_wait3A_122 = arith.constant 0 : i32
      %dma_wait3A_123 = arith.constant 0 : i32
      %dma_wait3A_124 = tpu.memref_slice %arg3[%add3A, %dma_wait3A_122, %dma_wait3A_123] : memref<32x64x16xi32, #tpu.memory_space<hbm>> -> memref<1x64x16xi32, #tpu.memory_space<hbm>>
      %dma_wait3A_125 = tpu.memref_squeeze %dma_wait3A_124 : memref<1x64x16xi32, #tpu.memory_space<hbm>> -> memref<64x16xi32, #tpu.memory_space<hbm>>
      %dma_wait3A_126 = arith.constant 0 : i32
      %dma_wait3A_127 = arith.constant 0 : i32
      %dma_wait3A_128 = tpu.memref_slice %arg3[%add3A, %dma_wait3A_126, %dma_wait3A_127] : memref<32x64x16xi32, #tpu.memory_space<hbm>> -> memref<1x64x16xi32, #tpu.memory_space<hbm>>
      %dma_wait3A_129 = tpu.memref_squeeze %dma_wait3A_128 : memref<1x64x16xi32, #tpu.memory_space<hbm>> -> memref<64x16xi32, #tpu.memory_space<hbm>>
      tpu.wait_dma2 semaphore(%run_scoped3A : memref<!tpu.dma_semaphore, #tpu.memory_space<semaphore_mem>>) src(%dma_wait3A_129 : memref<64x16xi32, #tpu.memory_space<hbm>>) dst(%arg5 : memref<64x16xi32, #tpu.memory_space<vmem>>)
      tpu.yield
    }) : () -> ()
    %dma_start3A = arith.constant 0 : i32
    %dma_start3A_3 = arith.constant 0 : i32
    %dma_start3A_4 = arith.constant 0 : i32
    %dma_start3A_5 = arith.constant 0 : i32
    %dma_start3A_6 = tpu.memref_slice %arg6[%dma_start3A_3, %dma_start3A_4, %dma_start3A_5] : memref<4x16x1024xf32, #tpu.memory_space<vmem>> -> memref<1x16x1024xf32, #tpu.memory_space<vmem>>
    %dma_start3A_7 = tpu.memref_squeeze %dma_start3A_6 : memref<1x16x1024xf32, #tpu.memory_space<vmem>> -> memref<16x1024xf32, #tpu.memory_space<vmem>>
    %dma_start3A_8 = arith.constant 0 : i32
    %dma_start3A_9 = tpu.memref_slice %arg5[%dma_start3A, %dma_start3A_8] : memref<64x16xi32, #tpu.memory_space<vmem>> -> memref<1x16xi32, #tpu.memory_space<vmem>>
    %dma_start3A_10 = tpu.memref_squeeze %dma_start3A_9 : memref<1x16xi32, #tpu.memory_space<vmem>> -> memref<16xi32, #tpu.memory_space<vmem>>
    %dma_start3A_11 = arith.constant 0 : i32
    %dma_start3A_12 = arith.constant 0 : i32
    %dma_start3A_13 = tpu.memref_slice %arg2[%dma_start3A_11, %dma_start3A_12] : memref<8192x1024xf32, #tpu.memory_space<hbm>> -> memref<8192x1024xf32, #tpu.memory_space<hbm>>
    tpu.enqueue_indirect_dma source(%dma_start3A_13 : memref<8192x1024xf32, #tpu.memory_space<hbm>>) target(%dma_start3A_7 : memref<16x1024xf32, #tpu.memory_space<vmem>>) offsets(%dma_start3A_10 : memref<16xi32, #tpu.memory_space<vmem>>) semaphore(%arg7 : memref<!tpu.dma_semaphore, #tpu.memory_space<semaphore_mem>>)
    %dma_start3A_14 = arith.constant 1 : i32
    %dma_start3A_15 = arith.constant 1 : i32
    %dma_start3A_16 = arith.constant 0 : i32
    %dma_start3A_17 = arith.constant 0 : i32
    %dma_start3A_18 = tpu.memref_slice %arg6[%dma_start3A_15, %dma_start3A_16, %dma_start3A_17] : memref<4x16x1024xf32, #tpu.memory_space<vmem>> -> memref<1x16x1024xf32, #tpu.memory_space<vmem>>
    %dma_start3A_19 = tpu.memref_squeeze %dma_start3A_18 : memref<1x16x1024xf32, #tpu.memory_space<vmem>> -> memref<16x1024xf32, #tpu.memory_space<vmem>>
    %dma_start3A_20 = arith.constant 0 : i32
    %dma_start3A_21 = tpu.memref_slice %arg5[%dma_start3A_14, %dma_start3A_20] : memref<64x16xi32, #tpu.memory_space<vmem>> -> memref<1x16xi32, #tpu.memory_space<vmem>>
    %dma_start3A_22 = tpu.memref_squeeze %dma_start3A_21 : memref<1x16xi32, #tpu.memory_space<vmem>> -> memref<16xi32, #tpu.memory_space<vmem>>
    %dma_start3A_23 = arith.constant 0 : i32
    %dma_start3A_24 = arith.constant 0 : i32
    %dma_start3A_25 = tpu.memref_slice %arg2[%dma_start3A_23, %dma_start3A_24] : memref<8192x1024xf32, #tpu.memory_space<hbm>> -> memref<8192x1024xf32, #tpu.memory_space<hbm>>
    tpu.enqueue_indirect_dma source(%dma_start3A_25 : memref<8192x1024xf32, #tpu.memory_space<hbm>>) target(%dma_start3A_19 : memref<16x1024xf32, #tpu.memory_space<vmem>>) offsets(%dma_start3A_22 : memref<16xi32, #tpu.memory_space<vmem>>) semaphore(%arg8 : memref<!tpu.dma_semaphore, #tpu.memory_space<semaphore_mem>>)
    %dma_start3A_26 = arith.constant 2 : i32
    %dma_start3A_27 = arith.constant 2 : i32
    %dma_start3A_28 = arith.constant 0 : i32
    %dma_start3A_29 = arith.constant 0 : i32
    %dma_start3A_30 = tpu.memref_slice %arg6[%dma_start3A_27, %dma_start3A_28, %dma_start3A_29] : memref<4x16x1024xf32, #tpu.memory_space<vmem>> -> memref<1x16x1024xf32, #tpu.memory_space<vmem>>
    %dma_start3A_31 = tpu.memref_squeeze %dma_start3A_30 : memref<1x16x1024xf32, #tpu.memory_space<vmem>> -> memref<16x1024xf32, #tpu.memory_space<vmem>>
    %dma_start3A_32 = arith.constant 0 : i32
    %dma_start3A_33 = tpu.memref_slice %arg5[%dma_start3A_26, %dma_start3A_32] : memref<64x16xi32, #tpu.memory_space<vmem>> -> memref<1x16xi32, #tpu.memory_space<vmem>>
    %dma_start3A_34 = tpu.memref_squeeze %dma_start3A_33 : memref<1x16xi32, #tpu.memory_space<vmem>> -> memref<16xi32, #tpu.memory_space<vmem>>
    %dma_start3A_35 = arith.constant 0 : i32
    %dma_start3A_36 = arith.constant 0 : i32
    %dma_start3A_37 = tpu.memref_slice %arg2[%dma_start3A_35, %dma_start3A_36] : memref<8192x1024xf32, #tpu.memory_space<hbm>> -> memref<8192x1024xf32, #tpu.memory_space<hbm>>
    tpu.enqueue_indirect_dma source(%dma_start3A_37 : memref<8192x1024xf32, #tpu.memory_space<hbm>>) target(%dma_start3A_31 : memref<16x1024xf32, #tpu.memory_space<vmem>>) offsets(%dma_start3A_34 : memref<16xi32, #tpu.memory_space<vmem>>) semaphore(%arg9 : memref<!tpu.dma_semaphore, #tpu.memory_space<semaphore_mem>>)
    %dma_start3A_38 = arith.constant 3 : i32
    %dma_start3A_39 = arith.constant 3 : i32
    %dma_start3A_40 = arith.constant 0 : i32
    %dma_start3A_41 = arith.constant 0 : i32
    %dma_start3A_42 = tpu.memref_slice %arg6[%dma_start3A_39, %dma_start3A_40, %dma_start3A_41] : memref<4x16x1024xf32, #tpu.memory_space<vmem>> -> memref<1x16x1024xf32, #tpu.memory_space<vmem>>
    %dma_start3A_43 = tpu.memref_squeeze %dma_start3A_42 : memref<1x16x1024xf32, #tpu.memory_space<vmem>> -> memref<16x1024xf32, #tpu.memory_space<vmem>>
    %dma_start3A_44 = arith.constant 0 : i32
    %dma_start3A_45 = tpu.memref_slice %arg5[%dma_start3A_38, %dma_start3A_44] : memref<64x16xi32, #tpu.memory_space<vmem>> -> memref<1x16xi32, #tpu.memory_space<vmem>>
    %dma_start3A_46 = tpu.memref_squeeze %dma_start3A_45 : memref<1x16xi32, #tpu.memory_space<vmem>> -> memref<16xi32, #tpu.memory_space<vmem>>
    %dma_start3A_47 = arith.constant 0 : i32
    %dma_start3A_48 = arith.constant 0 : i32
    %dma_start3A_49 = tpu.memref_slice %arg2[%dma_start3A_47, %dma_start3A_48] : memref<8192x1024xf32, #tpu.memory_space<hbm>> -> memref<8192x1024xf32, #tpu.memory_space<hbm>>
    tpu.enqueue_indirect_dma source(%dma_start3A_49 : memref<8192x1024xf32, #tpu.memory_space<hbm>>) target(%dma_start3A_43 : memref<16x1024xf32, #tpu.memory_space<vmem>>) offsets(%dma_start3A_46 : memref<16xi32, #tpu.memory_space<vmem>>) semaphore(%arg10 : memref<!tpu.dma_semaphore, #tpu.memory_space<semaphore_mem>>)
    %scan3A = arith.constant 0 : i32
    %scan3A_50 = arith.constant 0 : i32
    %scan3A_51 = arith.constant 16 : i32
    %scan3A_52 = arith.addi %scan3A_50, %scan3A_51 : i32
    %scan3A_53 = arith.constant 1 : i32
    scf.for %scan3A_114 = %scan3A_50 to %scan3A_52 step %scan3A_53  : i32 {
      %mul3A_115 = arith.constant 4 : i32
      %mul3A_116 = arith.muli %scan3A_114, %mul3A_115 : i32
      %add3A_117 = arith.constant 0 : i32
      %add3A_118 = arith.addi %mul3A_116, %add3A_117 : i32
      %dma_wait3A_119 = arith.constant 0 : i32
      %dma_wait3A_120 = arith.constant 0 : i32
      %dma_wait3A_121 = arith.constant 0 : i32
      %dma_wait3A_122 = tpu.memref_slice %arg6[%dma_wait3A_119, %dma_wait3A_120, %dma_wait3A_121] : memref<4x16x1024xf32, #tpu.memory_space<vmem>> -> memref<1x16x1024xf32, #tpu.memory_space<vmem>>
      %dma_wait3A_123 = tpu.memref_squeeze %dma_wait3A_122 : memref<1x16x1024xf32, #tpu.memory_space<vmem>> -> memref<16x1024xf32, #tpu.memory_space<vmem>>
      %dma_wait3A_124 = arith.constant 0 : i32
      %dma_wait3A_125 = tpu.memref_slice %arg5[%add3A_118, %dma_wait3A_124] : memref<64x16xi32, #tpu.memory_space<vmem>> -> memref<1x16xi32, #tpu.memory_space<vmem>>
      %dma_wait3A_126 = tpu.memref_squeeze %dma_wait3A_125 : memref<1x16xi32, #tpu.memory_space<vmem>> -> memref<16xi32, #tpu.memory_space<vmem>>
      %dma_wait3A_127 = arith.constant 0 : i32
      %dma_wait3A_128 = arith.constant 0 : i32
      %dma_wait3A_129 = tpu.memref_slice %arg2[%dma_wait3A_127, %dma_wait3A_128] : memref<8192x1024xf32, #tpu.memory_space<hbm>> -> memref<8192x1024xf32, #tpu.memory_space<hbm>>
      tpu.wait_indirect_dma semaphore(%arg7 : memref<!tpu.dma_semaphore, #tpu.memory_space<semaphore_mem>>) src(%dma_wait3A_129 : memref<8192x1024xf32, #tpu.memory_space<hbm>>) dst(%dma_wait3A_123 : memref<16x1024xf32, #tpu.memory_space<vmem>>)
      %mul3A_130 = arith.constant 16 : i32
      %mul3A_131 = arith.muli %add3A_118, %mul3A_130 : i32
      %add3A_132 = arith.addi %mul3A_2, %mul3A_131 : i32
      %dma_start3A_133 = arith.constant 0 : i32
      %dma_start3A_134 = arith.constant 0 : i32
      %dma_start3A_135 = arith.constant 0 : i32
      %dma_start3A_136 = tpu.memref_slice %arg6[%dma_start3A_133, %dma_start3A_134, %dma_start3A_135] : memref<4x16x1024xf32, #tpu.memory_space<vmem>> -> memref<1x16x1024xf32, #tpu.memory_space<vmem>>
      %dma_start3A_137 = tpu.memref_squeeze %dma_start3A_136 : memref<1x16x1024xf32, #tpu.memory_space<vmem>> -> memref<16x1024xf32, #tpu.memory_space<vmem>>
      %dma_start3A_138 = arith.constant 0 : i32
      %dma_start3A_139 = tpu.memref_slice %arg4[%add3A_132, %dma_start3A_138] : memref<32768x1024xf32, #tpu.memory_space<hbm>> -> memref<16x1024xf32, #tpu.memory_space<hbm>>
      %dma_start3A_140 = arith.constant 0 : i32
      %dma_start3A_141 = tpu.memref_slice %arg4[%add3A_132, %dma_start3A_140] : memref<32768x1024xf32, #tpu.memory_space<hbm>> -> memref<16x1024xf32, #tpu.memory_space<hbm>>
      %dma_start3A_142 = arith.constant 0 : i32
      %dma_start3A_143 = arith.constant 0 : i32
      %dma_start3A_144 = tpu.memref_slice %arg6[%dma_start3A_133, %dma_start3A_142, %dma_start3A_143] : memref<4x16x1024xf32, #tpu.memory_space<vmem>> -> memref<1x16x1024xf32, #tpu.memory_space<vmem>>
      %dma_start3A_145 = tpu.memref_squeeze %dma_start3A_144 : memref<1x16x1024xf32, #tpu.memory_space<vmem>> -> memref<16x1024xf32, #tpu.memory_space<vmem>>
      tpu.enqueue_dma source(%dma_start3A_145 : memref<16x1024xf32, #tpu.memory_space<vmem>>) target(%dma_start3A_141 : memref<16x1024xf32, #tpu.memory_space<hbm>>) target_semaphore(%arg11 : memref<!tpu.dma_semaphore, #tpu.memory_space<semaphore_mem>>)
      %add3A_146 = arith.constant 4 : i32
      %add3A_147 = arith.addi %add3A_118, %add3A_146 : i32
      %lt3A = arith.constant 64 : i32
      %lt3A_148 = arith.cmpi slt, %add3A_147, %lt3A : i32
      %convert_element_type3A = arith.extui %lt3A_148 : i1 to i32
      %cond3A = arith.constant 0 : i32
      %cond3A_149 = arith.cmpi ne, %convert_element_type3A, %cond3A : i32
      scf.if %cond3A_149 {
        %mul3A_264 = arith.constant 16 : i32
        %mul3A_265 = arith.muli %add3A_118, %mul3A_264 : i32
        %add3A_266 = arith.addi %mul3A_2, %mul3A_265 : i32
        %dma_wait3A_267 = arith.constant 0 : i32
        %dma_wait3A_268 = arith.constant 0 : i32
        %dma_wait3A_269 = arith.constant 0 : i32
        %dma_wait3A_270 = tpu.memref_slice %arg6[%dma_wait3A_267, %dma_wait3A_268, %dma_wait3A_269] : memref<4x16x1024xf32, #tpu.memory_space<vmem>> -> memref<1x16x1024xf32, #tpu.memory_space<vmem>>
        %dma_wait3A_271 = tpu.memref_squeeze %dma_wait3A_270 : memref<1x16x1024xf32, #tpu.memory_space<vmem>> -> memref<16x1024xf32, #tpu.memory_space<vmem>>
        %dma_wait3A_272 = arith.constant 0 : i32
        %dma_wait3A_273 = tpu.memref_slice %arg4[%add3A_266, %dma_wait3A_272] : memref<32768x1024xf32, #tpu.memory_space<hbm>> -> memref<16x1024xf32, #tpu.memory_space<hbm>>
        %dma_wait3A_274 = arith.constant 0 : i32
        %dma_wait3A_275 = tpu.memref_slice %arg4[%add3A_266, %dma_wait3A_274] : memref<32768x1024xf32, #tpu.memory_space<hbm>> -> memref<16x1024xf32, #tpu.memory_space<hbm>>
        %dma_wait3A_276 = arith.constant 0 : i32
        %dma_wait3A_277 = arith.constant 0 : i32
        %dma_wait3A_278 = tpu.memref_slice %arg6[%dma_wait3A_267, %dma_wait3A_276, %dma_wait3A_277] : memref<4x16x1024xf32, #tpu.memory_space<vmem>> -> memref<1x16x1024xf32, #tpu.memory_space<vmem>>
        %dma_wait3A_279 = tpu.memref_squeeze %dma_wait3A_278 : memref<1x16x1024xf32, #tpu.memory_space<vmem>> -> memref<16x1024xf32, #tpu.memory_space<vmem>>
        tpu.wait_dma2 semaphore(%arg11 : memref<!tpu.dma_semaphore, #tpu.memory_space<semaphore_mem>>) src(%dma_wait3A_279 : memref<16x1024xf32, #tpu.memory_space<vmem>>) dst(%dma_wait3A_275 : memref<16x1024xf32, #tpu.memory_space<hbm>>)
        %dma_start3A_280 = arith.constant 0 : i32
        %dma_start3A_281 = arith.constant 0 : i32
        %dma_start3A_282 = arith.constant 0 : i32
        %dma_start3A_283 = tpu.memref_slice %arg6[%dma_start3A_280, %dma_start3A_281, %dma_start3A_282] : memref<4x16x1024xf32, #tpu.memory_space<vmem>> -> memref<1x16x1024xf32, #tpu.memory_space<vmem>>
        %dma_start3A_284 = tpu.memref_squeeze %dma_start3A_283 : memref<1x16x1024xf32, #tpu.memory_space<vmem>> -> memref<16x1024xf32, #tpu.memory_space<vmem>>
        %dma_start3A_285 = arith.constant 0 : i32
        %dma_start3A_286 = tpu.memref_slice %arg5[%add3A_147, %dma_start3A_285] : memref<64x16xi32, #tpu.memory_space<vmem>> -> memref<1x16xi32, #tpu.memory_space<vmem>>
        %dma_start3A_287 = tpu.memref_squeeze %dma_start3A_286 : memref<1x16xi32, #tpu.memory_space<vmem>> -> memref<16xi32, #tpu.memory_space<vmem>>
        %dma_start3A_288 = arith.constant 0 : i32
        %dma_start3A_289 = arith.constant 0 : i32
        %dma_start3A_290 = tpu.memref_slice %arg2[%dma_start3A_288, %dma_start3A_289] : memref<8192x1024xf32, #tpu.memory_space<hbm>> -> memref<8192x1024xf32, #tpu.memory_space<hbm>>
        tpu.enqueue_indirect_dma source(%dma_start3A_290 : memref<8192x1024xf32, #tpu.memory_space<hbm>>) target(%dma_start3A_284 : memref<16x1024xf32, #tpu.memory_space<vmem>>) offsets(%dma_start3A_287 : memref<16xi32, #tpu.memory_space<vmem>>) semaphore(%arg7 : memref<!tpu.dma_semaphore, #tpu.memory_space<semaphore_mem>>)
      } else {
      }
      %mul3A_150 = arith.constant 4 : i32
      %mul3A_151 = arith.muli %scan3A_114, %mul3A_150 : i32
      %add3A_152 = arith.constant 1 : i32
      %add3A_153 = arith.addi %mul3A_151, %add3A_152 : i32
      %dma_wait3A_154 = arith.constant 1 : i32
      %dma_wait3A_155 = arith.constant 0 : i32
      %dma_wait3A_156 = arith.constant 0 : i32
      %dma_wait3A_157 = tpu.memref_slice %arg6[%dma_wait3A_154, %dma_wait3A_155, %dma_wait3A_156] : memref<4x16x1024xf32, #tpu.memory_space<vmem>> -> memref<1x16x1024xf32, #tpu.memory_space<vmem>>
      %dma_wait3A_158 = tpu.memref_squeeze %dma_wait3A_157 : memref<1x16x1024xf32, #tpu.memory_space<vmem>> -> memref<16x1024xf32, #tpu.memory_space<vmem>>
      %dma_wait3A_159 = arith.constant 0 : i32
      %dma_wait3A_160 = tpu.memref_slice %arg5[%add3A_153, %dma_wait3A_159] : memref<64x16xi32, #tpu.memory_space<vmem>> -> memref<1x16xi32, #tpu.memory_space<vmem>>
      %dma_wait3A_161 = tpu.memref_squeeze %dma_wait3A_160 : memref<1x16xi32, #tpu.memory_space<vmem>> -> memref<16xi32, #tpu.memory_space<vmem>>
      %dma_wait3A_162 = arith.constant 0 : i32
      %dma_wait3A_163 = arith.constant 0 : i32
      %dma_wait3A_164 = tpu.memref_slice %arg2[%dma_wait3A_162, %dma_wait3A_163] : memref<8192x1024xf32, #tpu.memory_space<hbm>> -> memref<8192x1024xf32, #tpu.memory_space<hbm>>
      tpu.wait_indirect_dma semaphore(%arg8 : memref<!tpu.dma_semaphore, #tpu.memory_space<semaphore_mem>>) src(%dma_wait3A_164 : memref<8192x1024xf32, #tpu.memory_space<hbm>>) dst(%dma_wait3A_158 : memref<16x1024xf32, #tpu.memory_space<vmem>>)
      %mul3A_165 = arith.constant 16 : i32
      %mul3A_166 = arith.muli %add3A_153, %mul3A_165 : i32
      %add3A_167 = arith.addi %mul3A_2, %mul3A_166 : i32
      %dma_start3A_168 = arith.constant 1 : i32
      %dma_start3A_169 = arith.constant 0 : i32
      %dma_start3A_170 = arith.constant 0 : i32
      %dma_start3A_171 = tpu.memref_slice %arg6[%dma_start3A_168, %dma_start3A_169, %dma_start3A_170] : memref<4x16x1024xf32, #tpu.memory_space<vmem>> -> memref<1x16x1024xf32, #tpu.memory_space<vmem>>
      %dma_start3A_172 = tpu.memref_squeeze %dma_start3A_171 : memref<1x16x1024xf32, #tpu.memory_space<vmem>> -> memref<16x1024xf32, #tpu.memory_space<vmem>>
      %dma_start3A_173 = arith.constant 0 : i32
      %dma_start3A_174 = tpu.memref_slice %arg4[%add3A_167, %dma_start3A_173] : memref<32768x1024xf32, #tpu.memory_space<hbm>> -> memref<16x1024xf32, #tpu.memory_space<hbm>>
      %dma_start3A_175 = arith.constant 0 : i32
      %dma_start3A_176 = tpu.memref_slice %arg4[%add3A_167, %dma_start3A_175] : memref<32768x1024xf32, #tpu.memory_space<hbm>> -> memref<16x1024xf32, #tpu.memory_space<hbm>>
      %dma_start3A_177 = arith.constant 0 : i32
      %dma_start3A_178 = arith.constant 0 : i32
      %dma_start3A_179 = tpu.memref_slice %arg6[%dma_start3A_168, %dma_start3A_177, %dma_start3A_178] : memref<4x16x1024xf32, #tpu.memory_space<vmem>> -> memref<1x16x1024xf32, #tpu.memory_space<vmem>>
      %dma_start3A_180 = tpu.memref_squeeze %dma_start3A_179 : memref<1x16x1024xf32, #tpu.memory_space<vmem>> -> memref<16x1024xf32, #tpu.memory_space<vmem>>
      tpu.enqueue_dma source(%dma_start3A_180 : memref<16x1024xf32, #tpu.memory_space<vmem>>) target(%dma_start3A_176 : memref<16x1024xf32, #tpu.memory_space<hbm>>) target_semaphore(%arg12 : memref<!tpu.dma_semaphore, #tpu.memory_space<semaphore_mem>>)
      %add3A_181 = arith.constant 4 : i32
      %add3A_182 = arith.addi %add3A_153, %add3A_181 : i32
      %lt3A_183 = arith.constant 64 : i32
      %lt3A_184 = arith.cmpi slt, %add3A_182, %lt3A_183 : i32
      %convert_element_type3A_185 = arith.extui %lt3A_184 : i1 to i32
      %cond3A_186 = arith.constant 0 : i32
      %cond3A_187 = arith.cmpi ne, %convert_element_type3A_185, %cond3A_186 : i32
      scf.if %cond3A_187 {
        %mul3A_264 = arith.constant 16 : i32
        %mul3A_265 = arith.muli %add3A_153, %mul3A_264 : i32
        %add3A_266 = arith.addi %mul3A_2, %mul3A_265 : i32
        %dma_wait3A_267 = arith.constant 1 : i32
        %dma_wait3A_268 = arith.constant 0 : i32
        %dma_wait3A_269 = arith.constant 0 : i32
        %dma_wait3A_270 = tpu.memref_slice %arg6[%dma_wait3A_267, %dma_wait3A_268, %dma_wait3A_269] : memref<4x16x1024xf32, #tpu.memory_space<vmem>> -> memref<1x16x1024xf32, #tpu.memory_space<vmem>>
        %dma_wait3A_271 = tpu.memref_squeeze %dma_wait3A_270 : memref<1x16x1024xf32, #tpu.memory_space<vmem>> -> memref<16x1024xf32, #tpu.memory_space<vmem>>
        %dma_wait3A_272 = arith.constant 0 : i32
        %dma_wait3A_273 = tpu.memref_slice %arg4[%add3A_266, %dma_wait3A_272] : memref<32768x1024xf32, #tpu.memory_space<hbm>> -> memref<16x1024xf32, #tpu.memory_space<hbm>>
        %dma_wait3A_274 = arith.constant 0 : i32
        %dma_wait3A_275 = tpu.memref_slice %arg4[%add3A_266, %dma_wait3A_274] : memref<32768x1024xf32, #tpu.memory_space<hbm>> -> memref<16x1024xf32, #tpu.memory_space<hbm>>
        %dma_wait3A_276 = arith.constant 0 : i32
        %dma_wait3A_277 = arith.constant 0 : i32
        %dma_wait3A_278 = tpu.memref_slice %arg6[%dma_wait3A_267, %dma_wait3A_276, %dma_wait3A_277] : memref<4x16x1024xf32, #tpu.memory_space<vmem>> -> memref<1x16x1024xf32, #tpu.memory_space<vmem>>
        %dma_wait3A_279 = tpu.memref_squeeze %dma_wait3A_278 : memref<1x16x1024xf32, #tpu.memory_space<vmem>> -> memref<16x1024xf32, #tpu.memory_space<vmem>>
        tpu.wait_dma2 semaphore(%arg12 : memref<!tpu.dma_semaphore, #tpu.memory_space<semaphore_mem>>) src(%dma_wait3A_279 : memref<16x1024xf32, #tpu.memory_space<vmem>>) dst(%dma_wait3A_275 : memref<16x1024xf32, #tpu.memory_space<hbm>>)
        %dma_start3A_280 = arith.constant 1 : i32
        %dma_start3A_281 = arith.constant 0 : i32
        %dma_start3A_282 = arith.constant 0 : i32
        %dma_start3A_283 = tpu.memref_slice %arg6[%dma_start3A_280, %dma_start3A_281, %dma_start3A_282] : memref<4x16x1024xf32, #tpu.memory_space<vmem>> -> memref<1x16x1024xf32, #tpu.memory_space<vmem>>
        %dma_start3A_284 = tpu.memref_squeeze %dma_start3A_283 : memref<1x16x1024xf32, #tpu.memory_space<vmem>> -> memref<16x1024xf32, #tpu.memory_space<vmem>>
        %dma_start3A_285 = arith.constant 0 : i32
        %dma_start3A_286 = tpu.memref_slice %arg5[%add3A_182, %dma_start3A_285] : memref<64x16xi32, #tpu.memory_space<vmem>> -> memref<1x16xi32, #tpu.memory_space<vmem>>
        %dma_start3A_287 = tpu.memref_squeeze %dma_start3A_286 : memref<1x16xi32, #tpu.memory_space<vmem>> -> memref<16xi32, #tpu.memory_space<vmem>>
        %dma_start3A_288 = arith.constant 0 : i32
        %dma_start3A_289 = arith.constant 0 : i32
        %dma_start3A_290 = tpu.memref_slice %arg2[%dma_start3A_288, %dma_start3A_289] : memref<8192x1024xf32, #tpu.memory_space<hbm>> -> memref<8192x1024xf32, #tpu.memory_space<hbm>>
        tpu.enqueue_indirect_dma source(%dma_start3A_290 : memref<8192x1024xf32, #tpu.memory_space<hbm>>) target(%dma_start3A_284 : memref<16x1024xf32, #tpu.memory_space<vmem>>) offsets(%dma_start3A_287 : memref<16xi32, #tpu.memory_space<vmem>>) semaphore(%arg8 : memref<!tpu.dma_semaphore, #tpu.memory_space<semaphore_mem>>)
      } else {
      }
      %mul3A_188 = arith.constant 4 : i32
      %mul3A_189 = arith.muli %scan3A_114, %mul3A_188 : i32
      %add3A_190 = arith.constant 2 : i32
      %add3A_191 = arith.addi %mul3A_189, %add3A_190 : i32
      %dma_wait3A_192 = arith.constant 2 : i32
      %dma_wait3A_193 = arith.constant 0 : i32
      %dma_wait3A_194 = arith.constant 0 : i32
      %dma_wait3A_195 = tpu.memref_slice %arg6[%dma_wait3A_192, %dma_wait3A_193, %dma_wait3A_194] : memref<4x16x1024xf32, #tpu.memory_space<vmem>> -> memref<1x16x1024xf32, #tpu.memory_space<vmem>>
      %dma_wait3A_196 = tpu.memref_squeeze %dma_wait3A_195 : memref<1x16x1024xf32, #tpu.memory_space<vmem>> -> memref<16x1024xf32, #tpu.memory_space<vmem>>
      %dma_wait3A_197 = arith.constant 0 : i32
      %dma_wait3A_198 = tpu.memref_slice %arg5[%add3A_191, %dma_wait3A_197] : memref<64x16xi32, #tpu.memory_space<vmem>> -> memref<1x16xi32, #tpu.memory_space<vmem>>
      %dma_wait3A_199 = tpu.memref_squeeze %dma_wait3A_198 : memref<1x16xi32, #tpu.memory_space<vmem>> -> memref<16xi32, #tpu.memory_space<vmem>>
      %dma_wait3A_200 = arith.constant 0 : i32
      %dma_wait3A_201 = arith.constant 0 : i32
      %dma_wait3A_202 = tpu.memref_slice %arg2[%dma_wait3A_200, %dma_wait3A_201] : memref<8192x1024xf32, #tpu.memory_space<hbm>> -> memref<8192x1024xf32, #tpu.memory_space<hbm>>
      tpu.wait_indirect_dma semaphore(%arg9 : memref<!tpu.dma_semaphore, #tpu.memory_space<semaphore_mem>>) src(%dma_wait3A_202 : memref<8192x1024xf32, #tpu.memory_space<hbm>>) dst(%dma_wait3A_196 : memref<16x1024xf32, #tpu.memory_space<vmem>>)
      %mul3A_203 = arith.constant 16 : i32
      %mul3A_204 = arith.muli %add3A_191, %mul3A_203 : i32
      %add3A_205 = arith.addi %mul3A_2, %mul3A_204 : i32
      %dma_start3A_206 = arith.constant 2 : i32
      %dma_start3A_207 = arith.constant 0 : i32
      %dma_start3A_208 = arith.constant 0 : i32
      %dma_start3A_209 = tpu.memref_slice %arg6[%dma_start3A_206, %dma_start3A_207, %dma_start3A_208] : memref<4x16x1024xf32, #tpu.memory_space<vmem>> -> memref<1x16x1024xf32, #tpu.memory_space<vmem>>
      %dma_start3A_210 = tpu.memref_squeeze %dma_start3A_209 : memref<1x16x1024xf32, #tpu.memory_space<vmem>> -> memref<16x1024xf32, #tpu.memory_space<vmem>>
      %dma_start3A_211 = arith.constant 0 : i32
      %dma_start3A_212 = tpu.memref_slice %arg4[%add3A_205, %dma_start3A_211] : memref<32768x1024xf32, #tpu.memory_space<hbm>> -> memref<16x1024xf32, #tpu.memory_space<hbm>>
      %dma_start3A_213 = arith.constant 0 : i32
      %dma_start3A_214 = tpu.memref_slice %arg4[%add3A_205, %dma_start3A_213] : memref<32768x1024xf32, #tpu.memory_space<hbm>> -> memref<16x1024xf32, #tpu.memory_space<hbm>>
      %dma_start3A_215 = arith.constant 0 : i32
      %dma_start3A_216 = arith.constant 0 : i32
      %dma_start3A_217 = tpu.memref_slice %arg6[%dma_start3A_206, %dma_start3A_215, %dma_start3A_216] : memref<4x16x1024xf32, #tpu.memory_space<vmem>> -> memref<1x16x1024xf32, #tpu.memory_space<vmem>>
      %dma_start3A_218 = tpu.memref_squeeze %dma_start3A_217 : memref<1x16x1024xf32, #tpu.memory_space<vmem>> -> memref<16x1024xf32, #tpu.memory_space<vmem>>
      tpu.enqueue_dma source(%dma_start3A_218 : memref<16x1024xf32, #tpu.memory_space<vmem>>) target(%dma_start3A_214 : memref<16x1024xf32, #tpu.memory_space<hbm>>) target_semaphore(%arg13 : memref<!tpu.dma_semaphore, #tpu.memory_space<semaphore_mem>>)
      %add3A_219 = arith.constant 4 : i32
      %add3A_220 = arith.addi %add3A_191, %add3A_219 : i32
      %lt3A_221 = arith.constant 64 : i32
      %lt3A_222 = arith.cmpi slt, %add3A_220, %lt3A_221 : i32
      %convert_element_type3A_223 = arith.extui %lt3A_222 : i1 to i32
      %cond3A_224 = arith.constant 0 : i32
      %cond3A_225 = arith.cmpi ne, %convert_element_type3A_223, %cond3A_224 : i32
      scf.if %cond3A_225 {
        %mul3A_264 = arith.constant 16 : i32
        %mul3A_265 = arith.muli %add3A_191, %mul3A_264 : i32
        %add3A_266 = arith.addi %mul3A_2, %mul3A_265 : i32
        %dma_wait3A_267 = arith.constant 2 : i32
        %dma_wait3A_268 = arith.constant 0 : i32
        %dma_wait3A_269 = arith.constant 0 : i32
        %dma_wait3A_270 = tpu.memref_slice %arg6[%dma_wait3A_267, %dma_wait3A_268, %dma_wait3A_269] : memref<4x16x1024xf32, #tpu.memory_space<vmem>> -> memref<1x16x1024xf32, #tpu.memory_space<vmem>>
        %dma_wait3A_271 = tpu.memref_squeeze %dma_wait3A_270 : memref<1x16x1024xf32, #tpu.memory_space<vmem>> -> memref<16x1024xf32, #tpu.memory_space<vmem>>
        %dma_wait3A_272 = arith.constant 0 : i32
        %dma_wait3A_273 = tpu.memref_slice %arg4[%add3A_266, %dma_wait3A_272] : memref<32768x1024xf32, #tpu.memory_space<hbm>> -> memref<16x1024xf32, #tpu.memory_space<hbm>>
        %dma_wait3A_274 = arith.constant 0 : i32
        %dma_wait3A_275 = tpu.memref_slice %arg4[%add3A_266, %dma_wait3A_274] : memref<32768x1024xf32, #tpu.memory_space<hbm>> -> memref<16x1024xf32, #tpu.memory_space<hbm>>
        %dma_wait3A_276 = arith.constant 0 : i32
        %dma_wait3A_277 = arith.constant 0 : i32
        %dma_wait3A_278 = tpu.memref_slice %arg6[%dma_wait3A_267, %dma_wait3A_276, %dma_wait3A_277] : memref<4x16x1024xf32, #tpu.memory_space<vmem>> -> memref<1x16x1024xf32, #tpu.memory_space<vmem>>
        %dma_wait3A_279 = tpu.memref_squeeze %dma_wait3A_278 : memref<1x16x1024xf32, #tpu.memory_space<vmem>> -> memref<16x1024xf32, #tpu.memory_space<vmem>>
        tpu.wait_dma2 semaphore(%arg13 : memref<!tpu.dma_semaphore, #tpu.memory_space<semaphore_mem>>) src(%dma_wait3A_279 : memref<16x1024xf32, #tpu.memory_space<vmem>>) dst(%dma_wait3A_275 : memref<16x1024xf32, #tpu.memory_space<hbm>>)
        %dma_start3A_280 = arith.constant 2 : i32
        %dma_start3A_281 = arith.constant 0 : i32
        %dma_start3A_282 = arith.constant 0 : i32
        %dma_start3A_283 = tpu.memref_slice %arg6[%dma_start3A_280, %dma_start3A_281, %dma_start3A_282] : memref<4x16x1024xf32, #tpu.memory_space<vmem>> -> memref<1x16x1024xf32, #tpu.memory_space<vmem>>
        %dma_start3A_284 = tpu.memref_squeeze %dma_start3A_283 : memref<1x16x1024xf32, #tpu.memory_space<vmem>> -> memref<16x1024xf32, #tpu.memory_space<vmem>>
        %dma_start3A_285 = arith.constant 0 : i32
        %dma_start3A_286 = tpu.memref_slice %arg5[%add3A_220, %dma_start3A_285] : memref<64x16xi32, #tpu.memory_space<vmem>> -> memref<1x16xi32, #tpu.memory_space<vmem>>
        %dma_start3A_287 = tpu.memref_squeeze %dma_start3A_286 : memref<1x16xi32, #tpu.memory_space<vmem>> -> memref<16xi32, #tpu.memory_space<vmem>>
        %dma_start3A_288 = arith.constant 0 : i32
        %dma_start3A_289 = arith.constant 0 : i32
        %dma_start3A_290 = tpu.memref_slice %arg2[%dma_start3A_288, %dma_start3A_289] : memref<8192x1024xf32, #tpu.memory_space<hbm>> -> memref<8192x1024xf32, #tpu.memory_space<hbm>>
        tpu.enqueue_indirect_dma source(%dma_start3A_290 : memref<8192x1024xf32, #tpu.memory_space<hbm>>) target(%dma_start3A_284 : memref<16x1024xf32, #tpu.memory_space<vmem>>) offsets(%dma_start3A_287 : memref<16xi32, #tpu.memory_space<vmem>>) semaphore(%arg9 : memref<!tpu.dma_semaphore, #tpu.memory_space<semaphore_mem>>)
      } else {
      }
      %mul3A_226 = arith.constant 4 : i32
      %mul3A_227 = arith.muli %scan3A_114, %mul3A_226 : i32
      %add3A_228 = arith.constant 3 : i32
      %add3A_229 = arith.addi %mul3A_227, %add3A_228 : i32
      %dma_wait3A_230 = arith.constant 3 : i32
      %dma_wait3A_231 = arith.constant 0 : i32
      %dma_wait3A_232 = arith.constant 0 : i32
      %dma_wait3A_233 = tpu.memref_slice %arg6[%dma_wait3A_230, %dma_wait3A_231, %dma_wait3A_232] : memref<4x16x1024xf32, #tpu.memory_space<vmem>> -> memref<1x16x1024xf32, #tpu.memory_space<vmem>>
      %dma_wait3A_234 = tpu.memref_squeeze %dma_wait3A_233 : memref<1x16x1024xf32, #tpu.memory_space<vmem>> -> memref<16x1024xf32, #tpu.memory_space<vmem>>
      %dma_wait3A_235 = arith.constant 0 : i32
      %dma_wait3A_236 = tpu.memref_slice %arg5[%add3A_229, %dma_wait3A_235] : memref<64x16xi32, #tpu.memory_space<vmem>> -> memref<1x16xi32, #tpu.memory_space<vmem>>
      %dma_wait3A_237 = tpu.memref_squeeze %dma_wait3A_236 : memref<1x16xi32, #tpu.memory_space<vmem>> -> memref<16xi32, #tpu.memory_space<vmem>>
      %dma_wait3A_238 = arith.constant 0 : i32
      %dma_wait3A_239 = arith.constant 0 : i32
      %dma_wait3A_240 = tpu.memref_slice %arg2[%dma_wait3A_238, %dma_wait3A_239] : memref<8192x1024xf32, #tpu.memory_space<hbm>> -> memref<8192x1024xf32, #tpu.memory_space<hbm>>
      tpu.wait_indirect_dma semaphore(%arg10 : memref<!tpu.dma_semaphore, #tpu.memory_space<semaphore_mem>>) src(%dma_wait3A_240 : memref<8192x1024xf32, #tpu.memory_space<hbm>>) dst(%dma_wait3A_234 : memref<16x1024xf32, #tpu.memory_space<vmem>>)
      %mul3A_241 = arith.constant 16 : i32
      %mul3A_242 = arith.muli %add3A_229, %mul3A_241 : i32
      %add3A_243 = arith.addi %mul3A_2, %mul3A_242 : i32
      %dma_start3A_244 = arith.constant 3 : i32
      %dma_start3A_245 = arith.constant 0 : i32
      %dma_start3A_246 = arith.constant 0 : i32
      %dma_start3A_247 = tpu.memref_slice %arg6[%dma_start3A_244, %dma_start3A_245, %dma_start3A_246] : memref<4x16x1024xf32, #tpu.memory_space<vmem>> -> memref<1x16x1024xf32, #tpu.memory_space<vmem>>
      %dma_start3A_248 = tpu.memref_squeeze %dma_start3A_247 : memref<1x16x1024xf32, #tpu.memory_space<vmem>> -> memref<16x1024xf32, #tpu.memory_space<vmem>>
      %dma_start3A_249 = arith.constant 0 : i32
      %dma_start3A_250 = tpu.memref_slice %arg4[%add3A_243, %dma_start3A_249] : memref<32768x1024xf32, #tpu.memory_space<hbm>> -> memref<16x1024xf32, #tpu.memory_space<hbm>>
      %dma_start3A_251 = arith.constant 0 : i32
      %dma_start3A_252 = tpu.memref_slice %arg4[%add3A_243, %dma_start3A_251] : memref<32768x1024xf32, #tpu.memory_space<hbm>> -> memref<16x1024xf32, #tpu.memory_space<hbm>>
      %dma_start3A_253 = arith.constant 0 : i32
      %dma_start3A_254 = arith.constant 0 : i32
      %dma_start3A_255 = tpu.memref_slice %arg6[%dma_start3A_244, %dma_start3A_253, %dma_start3A_254] : memref<4x16x1024xf32, #tpu.memory_space<vmem>> -> memref<1x16x1024xf32, #tpu.memory_space<vmem>>
      %dma_start3A_256 = tpu.memref_squeeze %dma_start3A_255 : memref<1x16x1024xf32, #tpu.memory_space<vmem>> -> memref<16x1024xf32, #tpu.memory_space<vmem>>
      tpu.enqueue_dma source(%dma_start3A_256 : memref<16x1024xf32, #tpu.memory_space<vmem>>) target(%dma_start3A_252 : memref<16x1024xf32, #tpu.memory_space<hbm>>) target_semaphore(%arg14 : memref<!tpu.dma_semaphore, #tpu.memory_space<semaphore_mem>>)
      %add3A_257 = arith.constant 4 : i32
      %add3A_258 = arith.addi %add3A_229, %add3A_257 : i32
      %lt3A_259 = arith.constant 64 : i32
      %lt3A_260 = arith.cmpi slt, %add3A_258, %lt3A_259 : i32
      %convert_element_type3A_261 = arith.extui %lt3A_260 : i1 to i32
      %cond3A_262 = arith.constant 0 : i32
      %cond3A_263 = arith.cmpi ne, %convert_element_type3A_261, %cond3A_262 : i32
      scf.if %cond3A_263 {
        %mul3A_264 = arith.constant 16 : i32
        %mul3A_265 = arith.muli %add3A_229, %mul3A_264 : i32
        %add3A_266 = arith.addi %mul3A_2, %mul3A_265 : i32
        %dma_wait3A_267 = arith.constant 3 : i32
        %dma_wait3A_268 = arith.constant 0 : i32
        %dma_wait3A_269 = arith.constant 0 : i32
        %dma_wait3A_270 = tpu.memref_slice %arg6[%dma_wait3A_267, %dma_wait3A_268, %dma_wait3A_269] : memref<4x16x1024xf32, #tpu.memory_space<vmem>> -> memref<1x16x1024xf32, #tpu.memory_space<vmem>>
        %dma_wait3A_271 = tpu.memref_squeeze %dma_wait3A_270 : memref<1x16x1024xf32, #tpu.memory_space<vmem>> -> memref<16x1024xf32, #tpu.memory_space<vmem>>
        %dma_wait3A_272 = arith.constant 0 : i32
        %dma_wait3A_273 = tpu.memref_slice %arg4[%add3A_266, %dma_wait3A_272] : memref<32768x1024xf32, #tpu.memory_space<hbm>> -> memref<16x1024xf32, #tpu.memory_space<hbm>>
        %dma_wait3A_274 = arith.constant 0 : i32
        %dma_wait3A_275 = tpu.memref_slice %arg4[%add3A_266, %dma_wait3A_274] : memref<32768x1024xf32, #tpu.memory_space<hbm>> -> memref<16x1024xf32, #tpu.memory_space<hbm>>
        %dma_wait3A_276 = arith.constant 0 : i32
        %dma_wait3A_277 = arith.constant 0 : i32
        %dma_wait3A_278 = tpu.memref_slice %arg6[%dma_wait3A_267, %dma_wait3A_276, %dma_wait3A_277] : memref<4x16x1024xf32, #tpu.memory_space<vmem>> -> memref<1x16x1024xf32, #tpu.memory_space<vmem>>
        %dma_wait3A_279 = tpu.memref_squeeze %dma_wait3A_278 : memref<1x16x1024xf32, #tpu.memory_space<vmem>> -> memref<16x1024xf32, #tpu.memory_space<vmem>>
        tpu.wait_dma2 semaphore(%arg14 : memref<!tpu.dma_semaphore, #tpu.memory_space<semaphore_mem>>) src(%dma_wait3A_279 : memref<16x1024xf32, #tpu.memory_space<vmem>>) dst(%dma_wait3A_275 : memref<16x1024xf32, #tpu.memory_space<hbm>>)
        %dma_start3A_280 = arith.constant 3 : i32
        %dma_start3A_281 = arith.constant 0 : i32
        %dma_start3A_282 = arith.constant 0 : i32
        %dma_start3A_283 = tpu.memref_slice %arg6[%dma_start3A_280, %dma_start3A_281, %dma_start3A_282] : memref<4x16x1024xf32, #tpu.memory_space<vmem>> -> memref<1x16x1024xf32, #tpu.memory_space<vmem>>
        %dma_start3A_284 = tpu.memref_squeeze %dma_start3A_283 : memref<1x16x1024xf32, #tpu.memory_space<vmem>> -> memref<16x1024xf32, #tpu.memory_space<vmem>>
        %dma_start3A_285 = arith.constant 0 : i32
        %dma_start3A_286 = tpu.memref_slice %arg5[%add3A_258, %dma_start3A_285] : memref<64x16xi32, #tpu.memory_space<vmem>> -> memref<1x16xi32, #tpu.memory_space<vmem>>
        %dma_start3A_287 = tpu.memref_squeeze %dma_start3A_286 : memref<1x16xi32, #tpu.memory_space<vmem>> -> memref<16xi32, #tpu.memory_space<vmem>>
        %dma_start3A_288 = arith.constant 0 : i32
        %dma_start3A_289 = arith.constant 0 : i32
        %dma_start3A_290 = tpu.memref_slice %arg2[%dma_start3A_288, %dma_start3A_289] : memref<8192x1024xf32, #tpu.memory_space<hbm>> -> memref<8192x1024xf32, #tpu.memory_space<hbm>>
        tpu.enqueue_indirect_dma source(%dma_start3A_290 : memref<8192x1024xf32, #tpu.memory_space<hbm>>) target(%dma_start3A_284 : memref<16x1024xf32, #tpu.memory_space<vmem>>) offsets(%dma_start3A_287 : memref<16xi32, #tpu.memory_space<vmem>>) semaphore(%arg10 : memref<!tpu.dma_semaphore, #tpu.memory_space<semaphore_mem>>)
      } else {
      }
    }
    %scan3A_54 = arith.constant 16 : i32
    %add3A_55 = arith.constant 960 : i32
    %add3A_56 = arith.addi %mul3A_2, %add3A_55 : i32
    %dma_wait3A = arith.constant 0 : i32
    %dma_wait3A_57 = arith.constant 0 : i32
    %dma_wait3A_58 = arith.constant 0 : i32
    %dma_wait3A_59 = tpu.memref_slice %arg6[%dma_wait3A, %dma_wait3A_57, %dma_wait3A_58] : memref<4x16x1024xf32, #tpu.memory_space<vmem>> -> memref<1x16x1024xf32, #tpu.memory_space<vmem>>
    %dma_wait3A_60 = tpu.memref_squeeze %dma_wait3A_59 : memref<1x16x1024xf32, #tpu.memory_space<vmem>> -> memref<16x1024xf32, #tpu.memory_space<vmem>>
    %dma_wait3A_61 = arith.constant 0 : i32
    %dma_wait3A_62 = tpu.memref_slice %arg4[%add3A_56, %dma_wait3A_61] : memref<32768x1024xf32, #tpu.memory_space<hbm>> -> memref<16x1024xf32, #tpu.memory_space<hbm>>
    %dma_wait3A_63 = arith.constant 0 : i32
    %dma_wait3A_64 = tpu.memref_slice %arg4[%add3A_56, %dma_wait3A_63] : memref<32768x1024xf32, #tpu.memory_space<hbm>> -> memref<16x1024xf32, #tpu.memory_space<hbm>>
    %dma_wait3A_65 = arith.constant 0 : i32
    %dma_wait3A_66 = arith.constant 0 : i32
    %dma_wait3A_67 = tpu.memref_slice %arg6[%dma_wait3A, %dma_wait3A_65, %dma_wait3A_66] : memref<4x16x1024xf32, #tpu.memory_space<vmem>> -> memref<1x16x1024xf32, #tpu.memory_space<vmem>>
    %dma_wait3A_68 = tpu.memref_squeeze %dma_wait3A_67 : memref<1x16x1024xf32, #tpu.memory_space<vmem>> -> memref<16x1024xf32, #tpu.memory_space<vmem>>
    tpu.wait_dma2 semaphore(%arg11 : memref<!tpu.dma_semaphore, #tpu.memory_space<semaphore_mem>>) src(%dma_wait3A_68 : memref<16x1024xf32, #tpu.memory_space<vmem>>) dst(%dma_wait3A_64 : memref<16x1024xf32, #tpu.memory_space<hbm>>)
    %add3A_69 = arith.constant 976 : i32
    %add3A_70 = arith.addi %mul3A_2, %add3A_69 : i32
    %dma_wait3A_71 = arith.constant 1 : i32
    %dma_wait3A_72 = arith.constant 0 : i32
    %dma_wait3A_73 = arith.constant 0 : i32
    %dma_wait3A_74 = tpu.memref_slice %arg6[%dma_wait3A_71, %dma_wait3A_72, %dma_wait3A_73] : memref<4x16x1024xf32, #tpu.memory_space<vmem>> -> memref<1x16x1024xf32, #tpu.memory_space<vmem>>
    %dma_wait3A_75 = tpu.memref_squeeze %dma_wait3A_74 : memref<1x16x1024xf32, #tpu.memory_space<vmem>> -> memref<16x1024xf32, #tpu.memory_space<vmem>>
    %dma_wait3A_76 = arith.constant 0 : i32
    %dma_wait3A_77 = tpu.memref_slice %arg4[%add3A_70, %dma_wait3A_76] : memref<32768x1024xf32, #tpu.memory_space<hbm>> -> memref<16x1024xf32, #tpu.memory_space<hbm>>
    %dma_wait3A_78 = arith.constant 0 : i32
    %dma_wait3A_79 = tpu.memref_slice %arg4[%add3A_70, %dma_wait3A_78] : memref<32768x1024xf32, #tpu.memory_space<hbm>> -> memref<16x1024xf32, #tpu.memory_space<hbm>>
    %dma_wait3A_80 = arith.constant 0 : i32
    %dma_wait3A_81 = arith.constant 0 : i32
    %dma_wait3A_82 = tpu.memref_slice %arg6[%dma_wait3A_71, %dma_wait3A_80, %dma_wait3A_81] : memref<4x16x1024xf32, #tpu.memory_space<vmem>> -> memref<1x16x1024xf32, #tpu.memory_space<vmem>>
    %dma_wait3A_83 = tpu.memref_squeeze %dma_wait3A_82 : memref<1x16x1024xf32, #tpu.memory_space<vmem>> -> memref<16x1024xf32, #tpu.memory_space<vmem>>
    tpu.wait_dma2 semaphore(%arg12 : memref<!tpu.dma_semaphore, #tpu.memory_space<semaphore_mem>>) src(%dma_wait3A_83 : memref<16x1024xf32, #tpu.memory_space<vmem>>) dst(%dma_wait3A_79 : memref<16x1024xf32, #tpu.memory_space<hbm>>)
    %add3A_84 = arith.constant 992 : i32
    %add3A_85 = arith.addi %mul3A_2, %add3A_84 : i32
    %dma_wait3A_86 = arith.constant 2 : i32
    %dma_wait3A_87 = arith.constant 0 : i32
    %dma_wait3A_88 = arith.constant 0 : i32
    %dma_wait3A_89 = tpu.memref_slice %arg6[%dma_wait3A_86, %dma_wait3A_87, %dma_wait3A_88] : memref<4x16x1024xf32, #tpu.memory_space<vmem>> -> memref<1x16x1024xf32, #tpu.memory_space<vmem>>
    %dma_wait3A_90 = tpu.memref_squeeze %dma_wait3A_89 : memref<1x16x1024xf32, #tpu.memory_space<vmem>> -> memref<16x1024xf32, #tpu.memory_space<vmem>>
    %dma_wait3A_91 = arith.constant 0 : i32
    %dma_wait3A_92 = tpu.memref_slice %arg4[%add3A_85, %dma_wait3A_91] : memref<32768x1024xf32, #tpu.memory_space<hbm>> -> memref<16x1024xf32, #tpu.memory_space<hbm>>
    %dma_wait3A_93 = arith.constant 0 : i32
    %dma_wait3A_94 = tpu.memref_slice %arg4[%add3A_85, %dma_wait3A_93] : memref<32768x1024xf32, #tpu.memory_space<hbm>> -> memref<16x1024xf32, #tpu.memory_space<hbm>>
    %dma_wait3A_95 = arith.constant 0 : i32
    %dma_wait3A_96 = arith.constant 0 : i32
    %dma_wait3A_97 = tpu.memref_slice %arg6[%dma_wait3A_86, %dma_wait3A_95, %dma_wait3A_96] : memref<4x16x1024xf32, #tpu.memory_space<vmem>> -> memref<1x16x1024xf32, #tpu.memory_space<vmem>>
    %dma_wait3A_98 = tpu.memref_squeeze %dma_wait3A_97 : memref<1x16x1024xf32, #tpu.memory_space<vmem>> -> memref<16x1024xf32, #tpu.memory_space<vmem>>
    tpu.wait_dma2 semaphore(%arg13 : memref<!tpu.dma_semaphore, #tpu.memory_space<semaphore_mem>>) src(%dma_wait3A_98 : memref<16x1024xf32, #tpu.memory_space<vmem>>) dst(%dma_wait3A_94 : memref<16x1024xf32, #tpu.memory_space<hbm>>)
    %add3A_99 = arith.constant 1008 : i32
    %add3A_100 = arith.addi %mul3A_2, %add3A_99 : i32
    %dma_wait3A_101 = arith.constant 3 : i32
    %dma_wait3A_102 = arith.constant 0 : i32
    %dma_wait3A_103 = arith.constant 0 : i32
    %dma_wait3A_104 = tpu.memref_slice %arg6[%dma_wait3A_101, %dma_wait3A_102, %dma_wait3A_103] : memref<4x16x1024xf32, #tpu.memory_space<vmem>> -> memref<1x16x1024xf32, #tpu.memory_space<vmem>>
    %dma_wait3A_105 = tpu.memref_squeeze %dma_wait3A_104 : memref<1x16x1024xf32, #tpu.memory_space<vmem>> -> memref<16x1024xf32, #tpu.memory_space<vmem>>
    %dma_wait3A_106 = arith.constant 0 : i32
    %dma_wait3A_107 = tpu.memref_slice %arg4[%add3A_100, %dma_wait3A_106] : memref<32768x1024xf32, #tpu.memory_space<hbm>> -> memref<16x1024xf32, #tpu.memory_space<hbm>>
    %dma_wait3A_108 = arith.constant 0 : i32
    %dma_wait3A_109 = tpu.memref_slice %arg4[%add3A_100, %dma_wait3A_108] : memref<32768x1024xf32, #tpu.memory_space<hbm>> -> memref<16x1024xf32, #tpu.memory_space<hbm>>
    %dma_wait3A_110 = arith.constant 0 : i32
    %dma_wait3A_111 = arith.constant 0 : i32
    %dma_wait3A_112 = tpu.memref_slice %arg6[%dma_wait3A_101, %dma_wait3A_110, %dma_wait3A_111] : memref<4x16x1024xf32, #tpu.memory_space<vmem>> -> memref<1x16x1024xf32, #tpu.memory_space<vmem>>
    %dma_wait3A_113 = tpu.memref_squeeze %dma_wait3A_112 : memref<1x16x1024xf32, #tpu.memory_space<vmem>> -> memref<16x1024xf32, #tpu.memory_space<vmem>>
    tpu.wait_dma2 semaphore(%arg14 : memref<!tpu.dma_semaphore, #tpu.memory_space<semaphore_mem>>) src(%dma_wait3A_113 : memref<16x1024xf32, #tpu.memory_space<vmem>>) dst(%dma_wait3A_109 : memref<16x1024xf32, #tpu.memory_space<hbm>>)
    return
  }
}

</mosaic_0001>

<sc_bundles>
// kernel: kernel.3.cloned.1.call-start
scs
__scs_entry_jumppad:
0x0: {  	(pc) =	sbr.rel $0x88, $3  }
0x1: {  	(tag) =	ssettag $0x0;
	lr =	simm.s32 $0x1  }
0x2: {  	[smem:$0x3F9F] =	sst lr;
	_ =	strace $0xD0000000  }
0x3: {  	_ = 	snop  }
0x4: {  	_ = 	snop  }
0x5: {  	_ = 	snop  }
0x6: {  	_ = 	snop  }
0x7: {  	_ = 	snop  }
__scs_overlays_trampoline_lowered:
0x8: {  	[smem:$0x3FAE] =	sst s0  }
0x9: {  	[smem:$0x3FAF] =	sst s1  }
0xa: {  	[smem:$0x3FB0] =	sst s2  }
0xb: {  	[smem:$0x3FB1] =	sst s3  }
0xc: {  	[smem:$0x3FB2] =	sst s4  }
0xd: {  	[smem:$0x3FB3] =	sst s5  }
0xe: {  	[smem:$0x3FB4] =	sst s6  }
0xf: {  	[smem:$0x3FB5] =	sst s7  }
0x10: {  	[smem:$0x3FB6] =	sst s8  }
0x11: {  	[smem:$0x3FB7] =	sst s9;
	s0 =	simm.s32 @!p0 $0x0  }
0x12: {  	s1 =	sld [smem:$0x3F9D];
	s0 =	simm.s32 @p0 $0x1  }
0x13: {  	[smem:$0x3FB8] =	sst s0;
	s0 =	simm.s32 @!p1 $0x0  }
0x14: {  	s2 =	sld [smem:$0x3F9C];
	s0 =	simm.s32 @p1 $0x1  }
0x15: {  	[smem:$0x3FB9] =	sst s0;
	s0 =	simm.s32 @!p2 $0x0  }
0x16: {  	s3 =	sld [smem:$0x3FDB];
	s0 =	simm.s32 @p2 $0x1  }
0x17: {  	s4 =	simm.s32 $0x1BF5;
	[smem:$0x3FBB] =	sst s0  }
0x18: {  	s0 =	sld [smem:$0x3F9E];
	_ =	swait.ge [sflag:s4], $0x0  }
0x19: {  	s7 =	sld [smem:$0x3F9F]  }
0x1a: {  	s8 =	sadd.s32 $0xFFFFE003, lr  }
0x1b: {  	s9 =	sadd.s32 $0xFFFFFEF7, lr;
	s5 =	simm.s32 $0xFFFFFFFF;
	p2 =	slt.u32 s8, $0xFFFFF086  }
0x1c: {  	p1 =	slt.u32 s9, $0xF7A;
	s5 =	simm.s32 @!p2 $0x0  }
0x1d: {  	s5 =	simm.s32 @p1 $0x1;
	p0 =	seq.s32 s7, s2  }
0x1e: {  	s7 =	smul.u32 @!p0 $0xF7A, s2;
	p2 =	seq.s32 @!p0 s5, $0x0  }
0x1f: {  	s9 =	smul.u32 $0xF7A, s1;
	s8 =	simm.s32 @!p0 $0x1BF5;
	p2 =	por !p2, p0  }
0x20: {  	[sflag:s8] =	ssyncset.s32 @!p0 $0xFFFFF086;
	s6 =	sadd.s32 @!p0 s3, s7;
	s7 =	simm.s32 @!p0 $0x108  }
0x21: {  	s3 =	sadd.s32 s3, s9;
	s6 =	sadd.s32 @!p0 $0x88, s6;
	s7 =	simm.s32 @p2 $0x1082  }
0x22: {  	[simem:s7], [sflag:s8] =	dma.local @!p0 [hbm:s6], $0xF7A  }
0x23: {  	s9 =	sor.u32 $0xD0000000, s2;
	s6 =	simm.s32 $0x108;
	_ =	swait.ge @!p0 [sflag:s8], $0x0  }
0x24: {  	s3 =	sadd.s32 $0x88, s3;
	s6 =	simm.s32 @!p1 $0x1082;
	[sflag:s4] =	ssyncset.s32 $0xFFFFF086  }
0x25: {  	[simem:s6], [sflag:s4] =	dma.local [hbm:s3], $0xF7A  }
0x26: {  	[smem:$0x3F9F] =	sst s1;
	(tag) =	ssettag s2;
	_ =	strace s9  }
0x27: {  	s1 =	sld [smem:$0x3FAF]  }
0x28: {  	s2 =	sld [smem:$0x3FB0]  }
0x29: {  	s4 =	sld [smem:$0x3FB2]  }
0x2a: {  	p0 =	seq.s32 s5, $0x0;
	s5 =	sld [smem:$0x3FB3]  }
0x2b: {  	s6 =	sld [smem:$0x3FB4]  }
0x2c: {  	s7 =	sld [smem:$0x3FB5]  }
0x2d: {  	s3 =	simm.s32 $0x108;
	s8 =	sld [smem:$0x3FB6]  }
0x2e: {  	s3 =	simm.s32 @!p0 $0x1082;
	s9 =	sld [smem:$0x3FB7]  }
0x2f: {  	lr =	sadd.s32 s0, s3;
	s0 =	sld [smem:$0x3FAE]  }
0x30: {  	s3 =	sld [smem:$0x3FB1]  }
0x31: {  	[smem:$0x3FBA] =	sst s10  }
0x32: {  	s10 =	sld [smem:$0x3FB8];
	_ =	sdelay $0x3  }
0x33: {  	p0 =	seq.s32 s10, $0x1;
	s10 =	sld [smem:$0x3FBA];
	_ =	sdelay $0x3  }
0x34: {  	[smem:$0x3FBA] =	sst s10  }
0x35: {  	s10 =	sld [smem:$0x3FB9];
	_ =	sdelay $0x3  }
0x36: {  	p1 =	seq.s32 s10, $0x1;
	s10 =	sld [smem:$0x3FBA];
	_ =	sdelay $0x3  }
0x37: {  	[smem:$0x3FBA] =	sst s10  }
0x38: {  	s10 =	sld [smem:$0x3FBB]  }
0x39: {  	_ = 	snop;
	(pc) =	sbr.ind lr, $3  }
0x3a: {  	_ = 	snop  }
0x3b: {  	_ = 	snop  }
0x3c: {  	p2 =	seq.s32 s10, $0x1;
	s10 =	sld [smem:$0x3FBA]  }
0x3d: {  	_ =	shalt  }
0x3e: {  	_ =	shalt  }
0x3f: {  	_ =	shalt  }
0x40: {  	_ =	shalt  }
0x41: {  	_ =	shalt  }
0x42: {  	_ =	shalt  }
0x43: {  	_ =	shalt  }
0x44: {  	_ =	shalt  }
0x45: {  	_ =	shalt  }
0x46: {  	_ =	shalt  }
0x47: {  	_ =	shalt  }
0x48: {  	_ =	shalt  }
0x49: {  	_ =	shalt  }
0x4a: {  	_ =	shalt  }
0x4b: {  	_ =	shalt  }
0x4c: {  	_ =	shalt  }
0x4d: {  	_ =	shalt  }
0x4e: {  	_ =	shalt  }
0x4f: {  	_ =	shalt  }
0x50: {  	_ =	shalt  }
0x51: {  	_ =	shalt  }
0x52: {  	_ =	shalt  }
0x53: {  	_ =	shalt  }
0x54: {  	_ =	shalt  }
0x55: {  	_ =	shalt  }
0x56: {  	_ =	shalt  }
0x57: {  	_ =	shalt  }
0x58: {  	_ =	shalt  }
0x59: {  	_ =	shalt  }
0x5a: {  	_ =	shalt  }
0x5b: {  	_ =	shalt  }
0x5c: {  	_ =	shalt  }
0x5d: {  	_ =	shalt  }
0x5e: {  	_ =	shalt  }
0x5f: {  	_ =	shalt  }
0x60: {  	_ =	shalt  }
0x61: {  	_ =	shalt  }
0x62: {  	_ =	shalt  }
0x63: {  	_ =	shalt  }
0x64: {  	_ =	shalt  }
0x65: {  	_ =	shalt  }
0x66: {  	_ =	shalt  }
0x67: {  	_ =	shalt  }
0x68: {  	_ =	shalt  }
0x69: {  	_ =	shalt  }
0x6a: {  	_ =	shalt  }
0x6b: {  	_ =	shalt  }
0x6c: {  	_ =	shalt  }
0x6d: {  	_ =	shalt  }
0x6e: {  	_ =	shalt  }
0x6f: {  	_ =	shalt  }
0x70: {  	_ =	shalt  }
0x71: {  	_ =	shalt  }
0x72: {  	_ =	shalt  }
0x73: {  	_ =	shalt  }
0x74: {  	_ =	shalt  }
0x75: {  	_ =	shalt  }
0x76: {  	_ =	shalt  }
0x77: {  	_ =	shalt  }
0x78: {  	_ =	shalt  }
0x79: {  	_ =	shalt  }
0x7a: {  	_ =	shalt  }
0x7b: {  	_ =	shalt  }
0x7c: {  	_ =	shalt  }
0x7d: {  	_ =	shalt  }
0x7e: {  	_ =	shalt  }
0x7f: {  	_ =	shalt  }
0x80: {  	_ =	shalt  }
0x81: {  	_ =	shalt  }
0x82: {  	_ =	shalt  }
0x83: {  	_ =	shalt  }
0x84: {  	_ =	shalt  }
0x85: {  	_ =	shalt  }
0x86: {  	_ =	shalt  }
0x87: {  	_ =	shalt  }
.Lfunc_end0:
.L_simem_size_0:
called_computation_lowered:
.L_overlay_start_0:
0x88: {  	s2 =	sld [smem:$0x3FD9]  }
0x89: {  	s3 =	sld [smem:$0x3FFE];
	_ =	sdelay $0x1  }
0x8a: {  	s1 =	srdreg.scid  }
0x8b: {  	s0 =	sand.u32 $0x1, s1  }
0x8c: {  	s17 =	sshll.u32 s0, $0xA;
	s2 =	sadd.s32 s3, s2  }
0x8d: {  	s2 =	sadd.s32 s2, s17  }
0x8e: {  	[smem:$0x3FC6] =	sst s2  }
0x8f: {  	_ = 	snop  }
0x90: {  	s2 =	sld [smem:$0x3FC8]  }
0x91: {  	s18 =	sld [smem:$0x3FD0];
	(tm) =	ssettm $0x1  }
0x92: {  	s4 =	sld [smem:$0x3FFB];
	_ =	sdelay $0x3  }
0x93: {  	_ =	strace s4  }
0x94: {  	s4 =	sld [smem:$0x3FFC];
	_ =	sdelay $0x3  }
0x95: {  	_ =	strace s4  }
0x96: {  	s4 =	sld [smem:$0x3FFD];
	_ =	sdelay $0x3  }
0x97: {  	_ =	strace s4  }
0x98: {  	_ =	strace $0x8FFFFFFF  }
0x99: {  	s19 =	sld [smem:$0x3FDB];
	_ =	sdelay $0x1  }
0x9a: {  	s5 =	simm.s32 $_scs_section_size  }
0x9b: {  	s6 =	simm.s32 $_size__tile_overlayer_lowered;
	s7 =	simm.s32 $_tile_overlayer_lowered  }
0x9c: {  	s22 =	simm.s32 $0x1BFF;
	s21 =	sshll.u32 s7, $0x1;
	s4 =	sadd.s32 s5, s19  }
0x9d: {  	s8 =	simm.s32 $0x0;
	s20 =	sshll.u32 s6, $0x1;
	s6 =	sadd.s32 s21, s4  }
0x9e: {  	[timem:s8], [sflag:s22] =	dma.local [hbm:s6], s20  }
0x9f: {  	_ =	swait.ge [sflag:s22], s20  }
0xa0: {  	s5 =	ssub.s32 $0x0, s20;
	[sflag:s22] =	ssyncset.done $0x0  }
0xa1: {  	[sflag:s22] =	ssyncadd.s32 s5;
	_ =	sdelay $0x1  }
0xa2: {  	s23 =	simm.s32 $0x1B8B  }
0xa3: {  	_ =	swait.ge [sflag:s23], $0x1  }
0xa4: {  	[sflag:s23] =	ssyncset.done $0x0  }
0xa5: {  	s25 =	simm.s32 $0x1B8E;
	s24 =	sld [smem:$0x3FFE];
	[sflag:s23] =	ssyncadd.s32 $0xFFFFFFFF  }
0xa6: {  	s26 =	simm.s32 $execute0_lowered;
	[smem:$0x3FD2] =	sst s25  }
0xa7: {  	s6 =	sshll.u32 s26, $0x1;
	_ =	strace $0x80000046;
	[dreg:$0x1] =	wrdreg $0xFFFFFFFF  }
0xa8: {  	s28 =	simm.s32 $_size_execute0_lowered;
	s4 =	sadd.s32 s4, s6;
	[dreg:$0x0] =	wrdreg $0x0  }
0xa9: {  	s6 =	sshll.u32 s28, $0x1;
	[dreg:$0x2] =	wrdreg s4  }
0xaa: {  	[dreg:$0x3] =	wrdreg s6  }
0xab: {  	[dreg:$0x4] =	wrdreg $0xC0  }
0xac: {  	_ =	task [dreg:s8], $0x5FFFF  }
0xad: {  	[dreg:$0x1] =	wrdreg $0xFFFFFFFF  }
0xae: {  	[dreg:$0x0] =	wrdreg $0x60  }
0xaf: {  	[dreg:$0x2] =	wrdreg s2  }
0xb0: {  	[dreg:$0x3] =	wrdreg s24  }
0xb1: {  	[dreg:$0x4] =	wrdreg s18  }
0xb2: {  	[dreg:$0x5] =	wrdreg $0x9  }
0xb3: {  	_ =	task.clear_ibuf [dreg:s8], $0x6FFFF;
	_ =	strace $0x90000046  }
0xb4: {  	s29 =	simm.s32 $0x9;
	_ =	strace $0x80000048  }
0xb5: {  	_ =	swait.ge [sflag:s29], $0x1  }
0xb6: {  	[sflag:s29] =	ssyncadd.s32 $0xFFFFFFFF  }
0xb7: {  	_ =	strace $0x90000048  }
0xb8: {  	_ =	sfence  }
0xb9: {  	s30 =	sld [smem:$0x0];
	_ =	sdelay $0x2  }
0xba: {  	s31 =	sshll.u32 s1, $0xD;
	s1 =	sshrl.u32 s1, $0x2  }
0xbb: {  	s3 =	sand.u32 $0x4000, s31;
	s1 =	sadd.s32 s1, s30  }
0xbc: {  	s0 =	sor.u32 s3, s0;
	s1 =	sshll.u32 s1, $0x11  }
0xbd: {  	s0 =	sor.u32 s1, s0  }
0xbe: {  	s0 =	sadd.s32 $0x8F2B, s0  }
0xbf: {  	[sflag:s0] =	ssyncadd.remote.s32 $0x1  }
0xc0: {  	_ =	sfence.sel $0xFFFF  }
0xc1: {  	[dreg:$0x0] =	wrdreg $0xFFFFFFFF;
	(pc) =	sbr.abs _section_cstart, $3  }
0xc2: {  	[dreg:$0x1] =	wrdreg $0xFFFFFFFF  }
0xc3: {  	_ =	task.clear_ibuf [dreg:s8], $0x2FFFF;
	_ =	strace $0x9FFFFFFF  }
0xc4: {  	(tm) =	ssettm $0x7FFFFFFF  }
0xc5: {  	_ =	shalt  }
tec
execute0_lowered:
.L_overlay_start_1:
0x0: {  	(tag) =	ssettag $0x1  }
0x1: {  	s1 =	rddreg [dreg:$0x0]  }
0x2: {  	s0 =	rddreg [dreg:$0x1]  }
0x3: {  	s2 =	rddreg [dreg:$0x2]  }
0x4: {  	s4 =	srdreg.scid;
	s3 =	simm.s32 $0x0;
	s9 =	stileid.u32  }
0x5: {  	s11 =	simm.s32 $0x2000;
	s19 =	simm.s32 $0x6000;
	s28 =	simm.s32 $0xA000  }
0x6: {  	s14 =	simm.s32 $0xE000;
	s15 =	simm.s32 $0xE800;
	s16 =	simm.s32 $0xF000  }
0x7: {  	s17 =	simm.s32 $0xF800;
	s18 =	simm.s32 $0x10000;
	s20 =	simm.s32 $0x10800  }
0x8: {  	s21 =	simm.s32 $0x11000;
	s22 =	simm.s32 $0x11800;
	s29 =	simm.s32 $0x5  }
0x9: {  	s30 =	simm.s32 $0x6;
	s31 =	simm.s32 $0x7;
	s4 =	sand.u32 $0x1, s4  }
0xa: {  	s5 =	sshll.u32 s9, $0xB;
	[smem:$0x7FF] =	sst s3;
	s24 =	sshll.u32 s9, $0x12  }
0xb: {  	s6 =	sshll.u32 s4, $0xA;
	s7 =	ssub.s32 $0x2, s4;
	_ =	strace $0x80000047  }
0xc: {  	s25 =	sshll.u32 s4, $0x11;
	s5 =	sor.u32 s6, s5;
	s23 =	sshrl.u32 s7, $0x1  }
0xd: {  	s6 =	sadd.s32 $0x200, s1;
	s0 =	sadd.s32 s5, s0;
	s8 =	ssub.s32 s7, s23  }
.Ltmp0:
0xe: {  	s5 =	sadd.s32 $0x100, s1;
	s0 =	sadd.s32 $0x400, s0;
	(pc) =	sbr.rel .LBB2_1-.Ltmp0, $4  }
0xf: {  	s7 =	sadd.s32 $0x300, s1;
	s26 =	smax.u32 s8, $0x1;
	[dreg:$0x4] =	wrdreg s0  }
0x10: {  	v2 =	vlaneseq.u32;
	s23 =	simm.s32 $0x1;
	s0 =	sadd.s32 s24, s2;
	[dreg:$0x5] =	wrdreg s26  }
0x11: {  	vm0 =	vmmov $0xffff;
	v1 =	vshrl.u32 v2, $0x3;
	s24 =	simm.s32 $0x2;
	s26 =	simm.s32 $0x4;
	s2 =	simm.s32 $0x0  }
0x12: {  	v0 =	vand.u32 $0x7, v2;
	v2 =	vor.u32 $0x8, v2;
	v1 =	vmul.u32 $0x8, v1;
	s9 =	sadd.s32 s25, s0;
	s25 =	simm.s32 $0x3;
	s0 =	simm.s32 $0x8  }
.LBB2_4:
0x13: {  	_ =	swait.ge [sflag:s29], $0x4000  }
0x14: {  	[sflag:s29] =	ssyncset.done $0x0  }
0x15: {  	[sflag:s29] =	ssyncadd.s32 $0xFFFFC000  }
0x16: {  	_ =	swait.ge [sflag:s30], $0x4000  }
0x17: {  	[sflag:s30] =	ssyncset.done $0x0  }
0x18: {  	[sflag:s30] =	ssyncadd.s32 $0xFFFFC000  }
0x19: {  	_ =	swait.ge [sflag:s31], $0x4000  }
0x1a: {  	[sflag:s31] =	ssyncset.done $0x0  }
0x1b: {  	[sflag:s31] =	ssyncadd.s32 $0xFFFFC000  }
0x1c: {  	_ =	swait.ge [sflag:s0], $0x4000  }
0x1d: {  	s2 =	sadd.s32 $0x1, s2;
	s4 =	rddreg [dreg:$0x5]  }
0x1e: {  	p0 =	sne.s32 s2, s4  }
.Ltmp1:
0x1f: {  	_ = 	snop;
	(pc) =	sbr.rel @!p0 .LBB2_5-.Ltmp1, $3  }
0x20: {  	_ =	sdelay $0x1  }
0x21: {  	[sflag:s0] =	ssyncset.done $0x0  }
0x22: {  	[sflag:s0] =	ssyncadd.s32 $0xFFFFC000  }
.LBB2_1:
0x23: {  	s4 =	rddreg [dreg:$0x4];
	s12 =	simm.s32 $0x9  }
0x24: {  	[tilespmem:s3], [sflag:$0x9] =	stream.linear.gather [hbm4b:s4+s3], $0x2000, $0x38;
	[tilespmem:$0x12000] =	vst v63  }
0x25: {  	_ =	swait.ge [sflag:s12], $0x2000  }
0x26: {  	[sflag:s12] =	ssyncset.done $0x0  }
0x27: {  	[sflag:s12] =	ssyncadd.s32 $0xFFFFE000  }
0x28: {  	v3 =	vld [tilespmem:$0x0];
	_ =	sdelay $0x4  }
0x29: {  	v4 =	vshll.u32 v3, $0x3  }
0x2a: {  	v3 =	vand.u32 $0x7, v3;
	v4 =	vand.u32 $0xFFFFFFC0, v4  }
0x2b: {  	v3 =	vor.u32 v3, v4  }
0x2c: {  	v4 =	vperm.xlane v3, v0;
	_ =	sdelay $0x1  }
0x2d: {  	v4 =	vadd.s32 v1, v4;
	_ =	sdelay $0x4  }
0x2e: {  	[tilespmem:s11], [sflag:$0x1] =	stream.indirect_vreg.gather [hbm4b:s1+s3], $0x80, v4, vm0, $0xb8;
	[tilespmem:$0x12000] =	vst v63  }
0x2f: {  	s13 =	simm.s32 $0x2800;
	v3 =	vperm.xlane v3, v2  }
0x30: {  	[tilespmem:s13], [sflag:$0x1] =	stream.indirect_vreg.gather [hbm4b:s5+s3], $0x80, v4, vm0, $0xb8;
	[tilespmem:$0x12000] =	vst v63  }
0x31: {  	s8 =	simm.s32 $0x3000;
	v3 =	vadd.s32 v1, v3  }
0x32: {  	[tilespmem:s8], [sflag:$0x1] =	stream.indirect_vreg.gather [hbm4b:s6+s3], $0x80, v4, vm0, $0xb8;
	[tilespmem:$0x12000] =	vst v63  }
0x33: {  	s10 =	simm.s32 $0x3800  }
0x34: {  	[tilespmem:s10], [sflag:$0x1] =	stream.indirect_vreg.gather [hbm4b:s7+s3], $0x80, v4, vm0, $0xb8;
	[tilespmem:$0x12000] =	vst v63  }
0x35: {  	s12 =	simm.s32 $0x4000  }
0x36: {  	[tilespmem:s12], [sflag:$0x1] =	stream.indirect_vreg.gather [hbm4b:s1+s3], $0x80, v3, vm0, $0xb8;
	[tilespmem:$0x12000] =	vst v63  }
0x37: {  	s13 =	simm.s32 $0x4800  }
0x38: {  	[tilespmem:s13], [sflag:$0x1] =	stream.indirect_vreg.gather [hbm4b:s5+s3], $0x80, v3, vm0, $0xb8;
	[tilespmem:$0x12000] =	vst v63  }
0x39: {  	s8 =	simm.s32 $0x5000  }
0x3a: {  	[tilespmem:s8], [sflag:$0x1] =	stream.indirect_vreg.gather [hbm4b:s6+s3], $0x80, v3, vm0, $0xb8;
	[tilespmem:$0x12000] =	vst v63  }
0x3b: {  	s10 =	simm.s32 $0x5800  }
0x3c: {  	[tilespmem:s10], [sflag:$0x1] =	stream.indirect_vreg.gather [hbm4b:s7+s3], $0x80, v3, vm0, $0xb8;
	[tilespmem:$0x12000] =	vst v63  }
0x3d: {  	v3 =	vld [tilespmem:$0x80];
	_ =	sdelay $0x4  }
0x3e: {  	v61 =	vshll.u32 v3, $0x3  }
0x3f: {  	v3 =	vand.u32 $0x7, v3;
	v4 =	vand.u32 $0xFFFFFFC0, v61  }
0x40: {  	v3 =	vor.u32 v3, v4  }
0x41: {  	v4 =	vperm.xlane v3, v0;
	_ =	sdelay $0x1  }
0x42: {  	v4 =	vadd.s32 v1, v4;
	_ =	sdelay $0x4  }
0x43: {  	[tilespmem:s19], [sflag:$0x2] =	stream.indirect_vreg.gather [hbm4b:s1+s3], $0x80, v4, vm0, $0xb8;
	[tilespmem:$0x12000] =	vst v63  }
0x44: {  	s12 =	simm.s32 $0x6800;
	v3 =	vperm.xlane v3, v2  }
0x45: {  	[tilespmem:s12], [sflag:$0x2] =	stream.indirect_vreg.gather [hbm4b:s5+s3], $0x80, v4, vm0, $0xb8;
	[tilespmem:$0x12000] =	vst v63  }
0x46: {  	s13 =	simm.s32 $0x7000;
	v3 =	vadd.s32 v1, v3  }
0x47: {  	[tilespmem:s13], [sflag:$0x2] =	stream.indirect_vreg.gather [hbm4b:s6+s3], $0x80, v4, vm0, $0xb8;
	[tilespmem:$0x12000] =	vst v63  }
0x48: {  	s8 =	simm.s32 $0x7800  }
0x49: {  	[tilespmem:s8], [sflag:$0x2] =	stream.indirect_vreg.gather [hbm4b:s7+s3], $0x80, v4, vm0, $0xb8;
	[tilespmem:$0x12000] =	vst v63  }
0x4a: {  	s10 =	simm.s32 $0x8000  }
0x4b: {  	[tilespmem:s10], [sflag:$0x2] =	stream.indirect_vreg.gather [hbm4b:s1+s3], $0x80, v3, vm0, $0xb8;
	[tilespmem:$0x12000] =	vst v63  }
0x4c: {  	s12 =	simm.s32 $0x8800  }
0x4d: {  	[tilespmem:s12], [sflag:$0x2] =	stream.indirect_vreg.gather [hbm4b:s5+s3], $0x80, v3, vm0, $0xb8;
	[tilespmem:$0x12000] =	vst v63  }
0x4e: {  	s13 =	simm.s32 $0x9000  }
0x4f: {  	[tilespmem:s13], [sflag:$0x2] =	stream.indirect_vreg.gather [hbm4b:s6+s3], $0x80, v3, vm0, $0xb8;
	[tilespmem:$0x12000] =	vst v63  }
0x50: {  	s8 =	simm.s32 $0x9800  }
0x51: {  	[tilespmem:s8], [sflag:$0x2] =	stream.indirect_vreg.gather [hbm4b:s7+s3], $0x80, v3, vm0, $0xb8;
	[tilespmem:$0x12000] =	vst v63  }
0x52: {  	v3 =	vld [tilespmem:$0x100];
	_ =	sdelay $0x4  }
0x53: {  	v62 =	vshll.u32 v3, $0x3  }
0x54: {  	v3 =	vand.u32 $0x7, v3;
	v4 =	vand.u32 $0xFFFFFFC0, v62  }
0x55: {  	v3 =	vor.u32 v3, v4  }
0x56: {  	v4 =	vperm.xlane v3, v0;
	_ =	sdelay $0x1  }
0x57: {  	v4 =	vadd.s32 v1, v4;
	_ =	sdelay $0x4  }
0x58: {  	[tilespmem:s28], [sflag:$0x3] =	stream.indirect_vreg.gather [hbm4b:s1+s3], $0x80, v4, vm0, $0xb8;
	[tilespmem:$0x12000] =	vst v63  }
0x59: {  	s10 =	simm.s32 $0xA800;
	v3 =	vperm.xlane v3, v2  }
0x5a: {  	[tilespmem:s10], [sflag:$0x3] =	stream.indirect_vreg.gather [hbm4b:s5+s3], $0x80, v4, vm0, $0xb8;
	[tilespmem:$0x12000] =	vst v63  }
0x5b: {  	s12 =	simm.s32 $0xB000;
	v3 =	vadd.s32 v1, v3  }
0x5c: {  	[tilespmem:s12], [sflag:$0x3] =	stream.indirect_vreg.gather [hbm4b:s6+s3], $0x80, v4, vm0, $0xb8;
	[tilespmem:$0x12000] =	vst v63  }
0x5d: {  	s13 =	simm.s32 $0xB800  }
0x5e: {  	[tilespmem:s13], [sflag:$0x3] =	stream.indirect_vreg.gather [hbm4b:s7+s3], $0x80, v4, vm0, $0xb8;
	[tilespmem:$0x12000] =	vst v63  }
0x5f: {  	s8 =	simm.s32 $0xC000  }
0x60: {  	[tilespmem:s8], [sflag:$0x3] =	stream.indirect_vreg.gather [hbm4b:s1+s3], $0x80, v3, vm0, $0xb8;
	[tilespmem:$0x12000] =	vst v63  }
0x61: {  	s10 =	simm.s32 $0xC800  }
0x62: {  	[tilespmem:s10], [sflag:$0x3] =	stream.indirect_vreg.gather [hbm4b:s5+s3], $0x80, v3, vm0, $0xb8;
	[tilespmem:$0x12000] =	vst v63  }
0x63: {  	s12 =	simm.s32 $0xD000  }
0x64: {  	[tilespmem:s12], [sflag:$0x3] =	stream.indirect_vreg.gather [hbm4b:s6+s3], $0x80, v3, vm0, $0xb8;
	[tilespmem:$0x12000] =	vst v63  }
0x65: {  	s13 =	simm.s32 $0xD800  }
0x66: {  	[tilespmem:s13], [sflag:$0x3] =	stream.indirect_vreg.gather [hbm4b:s7+s3], $0x80, v3, vm0, $0xb8;
	[tilespmem:$0x12000] =	vst v63  }
0x67: {  	v3 =	vld [tilespmem:$0x180];
	_ =	sdelay $0x4  }
0x68: {  	v63 =	vshll.u32 v3, $0x3  }
0x69: {  	v3 =	vand.u32 $0x7, v3;
	v4 =	vand.u32 $0xFFFFFFC0, v63  }
0x6a: {  	v3 =	vor.u32 v3, v4  }
0x6b: {  	v4 =	vperm.xlane v3, v0;
	_ =	sdelay $0x1  }
0x6c: {  	v4 =	vadd.s32 v1, v4;
	_ =	sdelay $0x4  }
0x6d: {  	[tilespmem:s14], [sflag:$0x4] =	stream.indirect_vreg.gather [hbm4b:s1+s3], $0x80, v4, vm0, $0xb8;
	[tilespmem:$0x12000] =	vst v63  }
0x6e: {  	v3 =	vperm.xlane v3, v2  }
0x6f: {  	[tilespmem:s15], [sflag:$0x4] =	stream.indirect_vreg.gather [hbm4b:s5+s3], $0x80, v4, vm0, $0xb8;
	[tilespmem:$0x12000] =	vst v63  }
0x70: {  	v3 =	vadd.s32 v1, v3  }
0x71: {  	[tilespmem:s16], [sflag:$0x4] =	stream.indirect_vreg.gather [hbm4b:s6+s3], $0x80, v4, vm0, $0xb8;
	[tilespmem:$0x12000] =	vst v63  }
0x72: {  	_ = 	snop  }
0x73: {  	[tilespmem:s17], [sflag:$0x4] =	stream.indirect_vreg.gather [hbm4b:s7+s3], $0x80, v4, vm0, $0xb8;
	[tilespmem:$0x12000] =	vst v63  }
0x74: {  	_ = 	snop  }
0x75: {  	[tilespmem:s18], [sflag:$0x4] =	stream.indirect_vreg.gather [hbm4b:s1+s3], $0x80, v3, vm0, $0xb8;
	[tilespmem:$0x12000] =	vst v63  }
0x76: {  	_ = 	snop  }
0x77: {  	[tilespmem:s20], [sflag:$0x4] =	stream.indirect_vreg.gather [hbm4b:s5+s3], $0x80, v3, vm0, $0xb8;
	[tilespmem:$0x12000] =	vst v63  }
0x78: {  	_ = 	snop  }
0x79: {  	[tilespmem:s21], [sflag:$0x4] =	stream.indirect_vreg.gather [hbm4b:s6+s3], $0x80, v3, vm0, $0xb8;
	[tilespmem:$0x12000] =	vst v63  }
0x7a: {  	s12 =	simm.s32 $0x380;
	s13 =	simm.s32 $0x0  }
0x7b: {  	[tilespmem:s22], [sflag:$0x4] =	stream.indirect_vreg.gather [hbm4b:s7+s3], $0x80, v3, vm0, $0xb8;
	[tilespmem:$0x12000] =	vst v63  }
.LBB2_2:
0x7c: {  	_ =	swait.ge [sflag:s23], $0x4000  }
0x7d: {  	p0 =	seq.s32 s13, $0x1E000;
	[sflag:s23] =	ssyncset.done $0x0  }
0x7e: {  	s4 =	sadd.s32 s13, s9;
	s8 =	simm.s32 @!p0 $0x5;
	[sflag:s23] =	ssyncadd.s32 $0xFFFFC000  }
0x7f: {  	[hbm4b:s4+s3] =	stream.linear.scatter [tilespmem:s11], [sflag:$0x5], $0x4000, $0x38;
	[tilespmem:$0x12000] =	vst v63  }
0x80: {  	_ =	swait.ge @!p0 [sflag:s8], $0x4000  }
0x81: {  	[sflag:s8] =	ssyncset.done @!p0 $0x0  }
0x82: {  	[sflag:s8] =	ssyncadd.s32 @!p0 $0xFFFFC000  }
0x83: {  	v3 =	vld @!p0 [tilespmem:s12+$0xFFFFFE80];
	_ =	sdelay $0x4  }
0x84: {  	v4 =	vshll.u32 @!p0 v3, $0x3  }
0x85: {  	v5 =	vlaneseq.u32 @!p0;
	v3 =	vand.u32 @!p0 $0x7, v3;
	v4 =	vand.u32 @!p0 $0xFFFFFFC0, v4  }
0x86: {  	v6 =	vshrl.u32 @!p0 v5, $0x3;
	v3 =	vor.u32 @!p0 v3, v4;
	v4 =	vand.u32 @!p0 $0x7, v5  }
0x87: {  	v6 =	vmul.u32 @!p0 $0x8, v6;
	v7 =	vperm.xlane @!p0 v3, v4;
	_ =	sdelay $0x1  }
0x88: {  	v7 =	vadd.s32 @!p0 v6, v7;
	_ =	sdelay $0x3  }
0x89: {  	vm1 =	vmmov @!p0 $0xffff;
	s10 =	simm.s32 @!p0 $0x2000;
	s8 =	simm.s32 @!p0 $0x0  }
0x8a: {  	v5 =	vor.u32 @!p0 $0x8, v5;
	[tilespmem:s10], [sflag:$0x1] =	stream.indirect_vreg.gather @!p0 [hbm4b:s1+s8], $0x80, v7, vm1, $0xb8;
	[tilespmem:$0x12000] =	vst v63  }
0x8b: {  	v3 =	vperm.xlane @!p0 v3, v5;
	s10 =	simm.s32 @!p0 $0x2800  }
0x8c: {  	[tilespmem:s10], [sflag:$0x1] =	stream.indirect_vreg.gather @!p0 [hbm4b:s5+s8], $0x80, v7, vm1, $0xb8;
	[tilespmem:$0x12000] =	vst v63  }
0x8d: {  	v3 =	vadd.s32 @!p0 v6, v3;
	s10 =	simm.s32 @!p0 $0x3000  }
0x8e: {  	[tilespmem:s10], [sflag:$0x1] =	stream.indirect_vreg.gather @!p0 [hbm4b:s6+s8], $0x80, v7, vm1, $0xb8;
	[tilespmem:$0x12000] =	vst v63  }
0x8f: {  	s10 =	simm.s32 @!p0 $0x3800  }
0x90: {  	[tilespmem:s10], [sflag:$0x1] =	stream.indirect_vreg.gather @!p0 [hbm4b:s7+s8], $0x80, v7, vm1, $0xb8;
	[tilespmem:$0x12000] =	vst v63  }
0x91: {  	s10 =	simm.s32 @!p0 $0x4000  }
0x92: {  	[tilespmem:s10], [sflag:$0x1] =	stream.indirect_vreg.gather @!p0 [hbm4b:s1+s8], $0x80, v3, vm1, $0xb8;
	[tilespmem:$0x12000] =	vst v63  }
0x93: {  	s10 =	simm.s32 @!p0 $0x4800  }
0x94: {  	[tilespmem:s10], [sflag:$0x1] =	stream.indirect_vreg.gather @!p0 [hbm4b:s5+s8], $0x80, v3, vm1, $0xb8;
	[tilespmem:$0x12000] =	vst v63  }
0x95: {  	s10 =	simm.s32 @!p0 $0x5000  }
0x96: {  	[tilespmem:s10], [sflag:$0x1] =	stream.indirect_vreg.gather @!p0 [hbm4b:s6+s8], $0x80, v3, vm1, $0xb8;
	[tilespmem:$0x12000] =	vst v63  }
0x97: {  	s10 =	simm.s32 @!p0 $0x5800  }
0x98: {  	[tilespmem:s10], [sflag:$0x1] =	stream.indirect_vreg.gather @!p0 [hbm4b:s7+s8], $0x80, v3, vm1, $0xb8;
	[tilespmem:$0x12000] =	vst v63  }
0x99: {  	_ =	swait.ge [sflag:s24], $0x4000  }
0x9a: {  	[sflag:s24] =	ssyncset.done $0x0  }
0x9b: {  	s10 =	sadd.s32 $0x800, s4;
	[sflag:s24] =	ssyncadd.s32 $0xFFFFC000  }
0x9c: {  	[hbm4b:s10+s3] =	stream.linear.scatter [tilespmem:s19], [sflag:$0x6], $0x4000, $0x38;
	[tilespmem:$0x12000] =	vst v63  }
0x9d: {  	s10 =	simm.s32 @!p0 $0x6  }
0x9e: {  	_ =	swait.ge @!p0 [sflag:s10], $0x4000  }
0x9f: {  	[sflag:s10] =	ssyncset.done @!p0 $0x0  }
0xa0: {  	[sflag:s10] =	ssyncadd.s32 @!p0 $0xFFFFC000  }
0xa1: {  	v3 =	vld @!p0 [tilespmem:s12+$0xFFFFFF00];
	_ =	sdelay $0x4  }
0xa2: {  	v7 =	vshll.u32 @!p0 v3, $0x3  }
0xa3: {  	v3 =	vand.u32 @!p0 $0x7, v3;
	v7 =	vand.u32 @!p0 $0xFFFFFFC0, v7  }
0xa4: {  	v3 =	vor.u32 @!p0 v3, v7  }
0xa5: {  	v7 =	vperm.xlane @!p0 v3, v4;
	_ =	sdelay $0x1  }
0xa6: {  	v7 =	vadd.s32 @!p0 v6, v7;
	_ =	sdelay $0x3  }
0xa7: {  	s10 =	simm.s32 @!p0 $0x6000  }
0xa8: {  	[tilespmem:s10], [sflag:$0x2] =	stream.indirect_vreg.gather @!p0 [hbm4b:s1+s8], $0x80, v7, vm1, $0xb8;
	[tilespmem:$0x12000] =	vst v63  }
0xa9: {  	v3 =	vperm.xlane @!p0 v3, v5;
	s10 =	simm.s32 @!p0 $0x6800  }
0xaa: {  	[tilespmem:s10], [sflag:$0x2] =	stream.indirect_vreg.gather @!p0 [hbm4b:s5+s8], $0x80, v7, vm1, $0xb8;
	[tilespmem:$0x12000] =	vst v63  }
0xab: {  	v3 =	vadd.s32 @!p0 v6, v3;
	s10 =	simm.s32 @!p0 $0x7000  }
0xac: {  	[tilespmem:s10], [sflag:$0x2] =	stream.indirect_vreg.gather @!p0 [hbm4b:s6+s8], $0x80, v7, vm1, $0xb8;
	[tilespmem:$0x12000] =	vst v63  }
0xad: {  	s10 =	simm.s32 @!p0 $0x7800  }
0xae: {  	[tilespmem:s10], [sflag:$0x2] =	stream.indirect_vreg.gather @!p0 [hbm4b:s7+s8], $0x80, v7, vm1, $0xb8;
	[tilespmem:$0x12000] =	vst v63  }
0xaf: {  	s10 =	simm.s32 @!p0 $0x8000  }
0xb0: {  	[tilespmem:s10], [sflag:$0x2] =	stream.indirect_vreg.gather @!p0 [hbm4b:s1+s8], $0x80, v3, vm1, $0xb8;
	[tilespmem:$0x12000] =	vst v63  }
0xb1: {  	s10 =	simm.s32 @!p0 $0x8800  }
0xb2: {  	[tilespmem:s10], [sflag:$0x2] =	stream.indirect_vreg.gather @!p0 [hbm4b:s5+s8], $0x80, v3, vm1, $0xb8;
	[tilespmem:$0x12000] =	vst v63  }
0xb3: {  	s10 =	simm.s32 @!p0 $0x9000  }
0xb4: {  	[tilespmem:s10], [sflag:$0x2] =	stream.indirect_vreg.gather @!p0 [hbm4b:s6+s8], $0x80, v3, vm1, $0xb8;
	[tilespmem:$0x12000] =	vst v63  }
0xb5: {  	s10 =	simm.s32 @!p0 $0x9800  }
0xb6: {  	[tilespmem:s10], [sflag:$0x2] =	stream.indirect_vreg.gather @!p0 [hbm4b:s7+s8], $0x80, v3, vm1, $0xb8;
	[tilespmem:$0x12000] =	vst v63  }
0xb7: {  	_ =	swait.ge [sflag:s25], $0x4000  }
0xb8: {  	[sflag:s25] =	ssyncset.done $0x0  }
0xb9: {  	s10 =	sadd.s32 $0x1000, s4;
	[sflag:s25] =	ssyncadd.s32 $0xFFFFC000  }
0xba: {  	[hbm4b:s10+s3] =	stream.linear.scatter [tilespmem:s28], [sflag:$0x7], $0x4000, $0x38;
	[tilespmem:$0x12000] =	vst v63  }
0xbb: {  	s10 =	simm.s32 @!p0 $0x7  }
0xbc: {  	_ =	swait.ge @!p0 [sflag:s10], $0x4000  }
0xbd: {  	[sflag:s10] =	ssyncset.done @!p0 $0x0  }
0xbe: {  	[sflag:s10] =	ssyncadd.s32 @!p0 $0xFFFFC000  }
0xbf: {  	v3 =	vld @!p0 [tilespmem:s12+$0xFFFFFF80];
	_ =	sdelay $0x4  }
0xc0: {  	v7 =	vshll.u32 @!p0 v3, $0x3  }
0xc1: {  	v3 =	vand.u32 @!p0 $0x7, v3;
	v7 =	vand.u32 @!p0 $0xFFFFFFC0, v7  }
0xc2: {  	v3 =	vor.u32 @!p0 v3, v7  }
0xc3: {  	v4 =	vperm.xlane @!p0 v3, v4;
	_ =	sdelay $0x1  }
0xc4: {  	v4 =	vadd.s32 @!p0 v6, v4;
	_ =	sdelay $0x3  }
0xc5: {  	s10 =	simm.s32 @!p0 $0xA000  }
0xc6: {  	[tilespmem:s10], [sflag:$0x3] =	stream.indirect_vreg.gather @!p0 [hbm4b:s1+s8], $0x80, v4, vm1, $0xb8;
	[tilespmem:$0x12000] =	vst v63  }
0xc7: {  	v3 =	vperm.xlane @!p0 v3, v5;
	s10 =	simm.s32 @!p0 $0xA800  }
0xc8: {  	[tilespmem:s10], [sflag:$0x3] =	stream.indirect_vreg.gather @!p0 [hbm4b:s5+s8], $0x80, v4, vm1, $0xb8;
	[tilespmem:$0x12000] =	vst v63  }
0xc9: {  	v3 =	vadd.s32 @!p0 v6, v3;
	s10 =	simm.s32 @!p0 $0xB000  }
0xca: {  	[tilespmem:s10], [sflag:$0x3] =	stream.indirect_vreg.gather @!p0 [hbm4b:s6+s8], $0x80, v4, vm1, $0xb8;
	[tilespmem:$0x12000] =	vst v63  }
0xcb: {  	s10 =	simm.s32 @!p0 $0xB800  }
0xcc: {  	[tilespmem:s10], [sflag:$0x3] =	stream.indirect_vreg.gather @!p0 [hbm4b:s7+s8], $0x80, v4, vm1, $0xb8;
	[tilespmem:$0x12000] =	vst v63  }
0xcd: {  	s10 =	simm.s32 @!p0 $0xC000  }
0xce: {  	[tilespmem:s10], [sflag:$0x3] =	stream.indirect_vreg.gather @!p0 [hbm4b:s1+s8], $0x80, v3, vm1, $0xb8;
	[tilespmem:$0x12000] =	vst v63  }
0xcf: {  	s10 =	simm.s32 @!p0 $0xC800  }
0xd0: {  	[tilespmem:s10], [sflag:$0x3] =	stream.indirect_vreg.gather @!p0 [hbm4b:s5+s8], $0x80, v3, vm1, $0xb8;
	[tilespmem:$0x12000] =	vst v63  }
0xd1: {  	s10 =	simm.s32 @!p0 $0xD000  }
0xd2: {  	[tilespmem:s10], [sflag:$0x3] =	stream.indirect_vreg.gather @!p0 [hbm4b:s6+s8], $0x80, v3, vm1, $0xb8;
	[tilespmem:$0x12000] =	vst v63  }
0xd3: {  	s10 =	simm.s32 @!p0 $0xD800  }
0xd4: {  	[tilespmem:s10], [sflag:$0x3] =	stream.indirect_vreg.gather @!p0 [hbm4b:s7+s8], $0x80, v3, vm1, $0xb8;
	[tilespmem:$0x12000] =	vst v63  }
.Ltmp2:
0xd5: {  	_ = 	snop;
	(pc) =	sbr.rel @p0 .LBB2_4-.Ltmp2, $4  }
0xd6: {  	_ =	swait.ge [sflag:s26], $0x4000  }
0xd7: {  	[sflag:s26] =	ssyncset.done $0x0  }
0xd8: {  	s4 =	sadd.s32 $0x1800, s4;
	[sflag:s26] =	ssyncadd.s32 $0xFFFFC000  }
0xd9: {  	[hbm4b:s4+s3] =	stream.linear.scatter [tilespmem:s14], [sflag:$0x8], $0x4000, $0x38;
	[tilespmem:$0x12000] =	vst v63  }
0xda: {  	_ =	swait.ge [sflag:s0], $0x4000  }
0xdb: {  	[sflag:s0] =	ssyncset.done $0x0  }
0xdc: {  	[sflag:s0] =	ssyncadd.s32 $0xFFFFC000  }
0xdd: {  	v3 =	vld [tilespmem:s12+$0x0];
	_ =	sdelay $0x4  }
0xde: {  	v4 =	vshll.u32 v3, $0x3  }
0xdf: {  	v3 =	vand.u32 $0x7, v3;
	v4 =	vand.u32 $0xFFFFFFC0, v4  }
0xe0: {  	v3 =	vor.u32 v3, v4  }
0xe1: {  	v4 =	vperm.xlane v3, v0;
	_ =	sdelay $0x1  }
0xe2: {  	v4 =	vadd.s32 v1, v4;
	_ =	sdelay $0x4  }
0xe3: {  	[tilespmem:s14], [sflag:$0x4] =	stream.indirect_vreg.gather [hbm4b:s1+s3], $0x80, v4, vm0, $0xb8;
	[tilespmem:$0x12000] =	vst v63  }
0xe4: {  	v3 =	vperm.xlane v3, v2  }
0xe5: {  	[tilespmem:s15], [sflag:$0x4] =	stream.indirect_vreg.gather [hbm4b:s5+s3], $0x80, v4, vm0, $0xb8;
	[tilespmem:$0x12000] =	vst v63  }
0xe6: {  	v3 =	vadd.s32 v1, v3  }
0xe7: {  	[tilespmem:s16], [sflag:$0x4] =	stream.indirect_vreg.gather [hbm4b:s6+s3], $0x80, v4, vm0, $0xb8;
	[tilespmem:$0x12000] =	vst v63  }
0xe8: {  	_ = 	snop  }
0xe9: {  	[tilespmem:s17], [sflag:$0x4] =	stream.indirect_vreg.gather [hbm4b:s7+s3], $0x80, v4, vm0, $0xb8;
	[tilespmem:$0x12000] =	vst v63  }
0xea: {  	_ = 	snop  }
0xeb: {  	[tilespmem:s18], [sflag:$0x4] =	stream.indirect_vreg.gather [hbm4b:s1+s3], $0x80, v3, vm0, $0xb8;
	[tilespmem:$0x12000] =	vst v63  }
0xec: {  	_ = 	snop  }
0xed: {  	[tilespmem:s20], [sflag:$0x4] =	stream.indirect_vreg.gather [hbm4b:s5+s3], $0x80, v3, vm0, $0xb8;
	[tilespmem:$0x12000] =	vst v63  }
.Ltmp3:
0xee: {  	_ = 	snop;
	(pc) =	sbr.rel .LBB2_2-.Ltmp3, $4  }
0xef: {  	_ = 	snop  }
0xf0: {  	[tilespmem:s21], [sflag:$0x4] =	stream.indirect_vreg.gather [hbm4b:s6+s3], $0x80, v3, vm0, $0xb8;
	[tilespmem:$0x12000] =	vst v63  }
0xf1: {  	s13 =	sadd.s32 $0x2000, s13;
	s12 =	sadd.s32 $0x200, s12  }
0xf2: {  	[tilespmem:s22], [sflag:$0x4] =	stream.indirect_vreg.gather [hbm4b:s7+s3], $0x80, v3, vm0, $0xb8;
	[tilespmem:$0x12000] =	vst v63  }
.LBB2_5:
0xf3: {  	_ =	sfence.sel $0x180000  }
0xf4: {  	[bflag:$0x0] =	sbarrier.arrive $0xFFFF  }
0xf5: {  	_ =	strace $0x90000047  }
0xf6: {  	s0 =	stileid.u32;
	[bflag:$0x2] =	sbarrier.arrive $0xFFFF  }
0xf7: {  	p0 =	sne.s32 s0, $0x0;
	s0 =	rddreg [dreg:$0x3]  }
0xf8: {  	s0 =	sadd.s32 @!p0 $0x100000, s0  }
0xf9: {  	[sflag:s0] =	ssyncadd.tile.s32 @!p0 $0x1;
	_ =	shalt  }
.Lfunc_end2:
_tile_overlayer_lowered:
.L_overlay_start_2:
0xfa: {  	(tag) =	ssettag $0x2  }
0xfb: {  	s0 =	rddreg [dreg:$0x0];
	s2 =	stileid.u32  }
0xfc: {  	s1 =	rddreg [dreg:$0x1];
	p0 =	sne.s32 s2, $0x0  }
0xfd: {  	s3 =	rddreg [dreg:$0x2];
	[bflag:$0x3] =	sbarrier.arrive $0xFFFF;
	s2 =	simm.s32 @!p0 $0x1C09  }
0xfe: {  	[timem:s3], [sflag:s2] =	dma.local @!p0 [hbm:s0], s1  }
0xff: {  	s0 =	simm.s32 @!p0 $0x9  }
0x100: {  	_ =	swait.ge @!p0 [sflag:s0], s1  }
0x101: {  	s1 =	ssub.s32 @!p0 $0x0, s1;
	[sflag:s0] =	ssyncset.done @!p0 $0x0  }
0x102: {  	[sflag:s0] =	ssyncadd.s32 @!p0 s1  }
0x103: {  	[bflag:$0x3] =	sbarrier.arrive $0xFFFF  }
0x104: {  	_ =	shalt  }

</sc_bundles>
